<compile_context>
chip_gen: v7x
topology: tpu7x:2x2x1
jax: 0.10.2.dev20260603
libtpu: 0.0.44.dev20260713+nightly
codegen_flags: <defaults>
</compile_context>

<pallas_src>
import functools

import jax
import jax.numpy as jnp
from jax import lax
from jax.experimental import pallas as pl
from jax.experimental.pallas import tpu as pltpu
from jax.experimental.pallas import tpu_sc as plsc

V = 1_000_000
H = 64
T = 200
SQ = 16384
NC, NS = 2, 16
NW = NC * NS
SPW = SQ // NW
SPLIT = (0, 128), (128, 128)


def _make_gather():
    mesh = plsc.VectorSubcoreMesh(core_axis_name="c", subcore_axis_name="s")

    @functools.partial(
        pl.kernel,
        mesh=mesh,
        out_type=jax.ShapeDtypeStruct((SQ, T, 128), jnp.float32),
        scratch_types=[
            pltpu.VMEM((2, 8, 256), jnp.int32),
            pltpu.VMEM((3, 256, 128), jnp.float32),
            pltpu.SemaphoreType.DMA,
            pltpu.SemaphoreType.DMA,
        ],
        compiler_params=pltpu.CompilerParams(
            use_tc_tiling_on_sc=True, needs_layout_passes=False
        ),
    )
    def gather_kernel(tbl_hbm, x_hbm, out_hbm, idxb, rows, semg, semo):
        core = lax.axis_index("c")
        sid = lax.axis_index("s")
        wid = sid * NC + core
        s0 = wid * SPW

        def fire(u):
            @pl.when(lax.rem(u, 8) == 0)
            def _():
                pltpu.sync_copy(
                    x_hbm.at[pl.ds(pl.multiple_of(s0 + u, 8), 8)],
                    idxb.at[lax.rem(lax.div(u, 8), 2)],
                )
            for off, ln in SPLIT:
                pltpu.async_copy(
                    tbl_hbm.at[
                        idxb.at[lax.rem(lax.div(u, 8), 2), lax.rem(u, 8),
                                pl.ds(off, ln)]
                    ],
                    rows.at[lax.rem(u, 3), pl.ds(off, ln)], semg,
                )

        def wait_gather(b):
            pltpu.make_async_copy(
                tbl_hbm.at[pl.ds(0, 256)], rows.at[b], semg
            ).wait()

        def wait_out():
            pltpu.make_async_copy(
                rows.at[0, pl.ds(0, T)], out_hbm.at[0], semo
            ).wait()

        fire(0)
        fire(1)

        def step(u, _):
            @pl.when(u >= 4)
            def _():
                wait_out()

            wait_gather(lax.rem(u - 2, 3))

            @pl.when(u < SPW)
            def _():
                fire(u)

            pltpu.async_copy(
                rows.at[lax.rem(u - 2, 3), pl.ds(0, T)],
                out_hbm.at[s0 + u - 2], semo,
            )
            return _

        lax.fori_loop(2, SPW + 2, step, None)

        for _ in range(2):
            wait_out()

    return gather_kernel


_gather = _make_gather()


def kernel(x, weight):
    tbl = jnp.pad(weight, ((0, 0), (0, 128 - H)))
    xpad = jnp.pad(x.astype(jnp.int32), ((0, 0), (0, 256 - T)))
    out128 = _gather(tbl, xpad)
    return out128[:, :, :H]

# --- scband reference (transcript-rebuilt; emitter-appended) ---
"""Pipeline reference for scband-parallel-embedding-17755394801707 (READ-ONLY COPY).

The authoritative reference and input builder live on the scoring server;
editing this copy changes nothing except your own understanding.
"""

import jax, jax.numpy as jnp
import numpy as np

VOCAB_SIZE = 1000000
HIDDEN_SIZE = 64
PADDING_IDX = 1
# single device: no TP, shard covers full vocab
START_INDEX = 0
END_INDEX = VOCAB_SIZE


def setup_inputs(seed: int = 0) -> dict:
    key = jax.random.key(seed)
    k1, k2 = jax.random.split(key)
    x = jax.random.randint(k1, (16384, 200), 0, VOCAB_SIZE, dtype=jnp.int64) if jax.config.jax_enable_x64 else jax.random.randint(k1, (16384, 200), 0, VOCAB_SIZE, dtype=jnp.int32)
    weight = jax.random.normal(k2, (VOCAB_SIZE, HIDDEN_SIZE), dtype=jnp.float32)
    # padding_idx row is zeroed by the weight loader in the original module
    weight = weight.at[PADDING_IDX].set(0.0)
    return {"x": x, "weight": weight}


def reference(x, weight):
    # Vocab-parallel embedding lookup: mask indices outside this rank's shard,
    # offset into the local table, gather, and zero masked rows. With a single
    # shard covering the full vocab, this reduces to a plain gather, but we
    # keep the masked formulation faithful to the original impl.
    in_range = (x >= START_INDEX) & (x < END_INDEX)
    local_idx = jnp.where(in_range, x - START_INDEX, 0)
    out = jnp.take(weight, local_idx, axis=0)
    out = jnp.where(in_range[..., None], out, 0.0)
    # all_reduce is a no-op for tp == 1
    return out

if __name__ == "__main__":
    import jax
    _d = setup_inputs()
    print(jax.jit(kernel)(*tuple(_d.values())))

</pallas_src>

<mosaic_0001>
#map = affine_map<(d0, d1) -> (0, 0)>
#map1 = affine_map<(d0, d1) -> (0, 0, 0)>
module attributes {stable_mosaic.version = 14 : i64} {
  func.func @gather_kernel(%arg0: i32, %arg1: i32, %arg2: memref<1000000x128xf32, #tpu.memory_space<hbm>>, %arg3: memref<16384x256xi32, #tpu.memory_space<hbm>>, %arg4: memref<16384x200x128xf32, #tpu.memory_space<hbm>>, %arg5: memref<2x8x256xi32, #tpu.memory_space<vmem>>, %arg6: memref<3x256x128xf32, #tpu.memory_space<vmem>>, %arg7: memref<!tpu.dma_semaphore, #tpu.memory_space<semaphore_mem>>, %arg8: memref<!tpu.dma_semaphore, #tpu.memory_space<semaphore_mem>>) attributes {dimension_semantics = [#tpu.dimension_semantics<core_parallel>, #tpu.dimension_semantics<subcore_parallel>], iteration_bounds = array<i64: 2, 16>, scalar_prefetch = 0 : i64, scratch_operands = 4 : i64, tpu.core_type = #tpu.core_type<sc_vector_subcore>, window_params = [{transform_indices = #map}, {transform_indices = #map}, {transform_indices = #map1}]} {
    %mul3A = arith.constant 2 : i32
    %mul3A_0 = arith.muli %arg1, %mul3A : i32
    %add3A = arith.addi %mul3A_0, %arg0 : i32
    %mul3A_1 = arith.constant 512 : i32
    %mul3A_2 = arith.muli %add3A, %mul3A_1 : i32
    %rem3A = arith.constant 0 : i32
    %rem3A_3 = arith.constant 8 : i32
    %rem3A_4 = arith.remsi %rem3A, %rem3A_3 : i32
    %eq3A = arith.constant 0 : i32
    %eq3A_5 = arith.cmpi eq, %rem3A_4, %eq3A : i32
    %convert_element_type3A = arith.extui %eq3A_5 : i1 to i32
    %cond3A = arith.constant 0 : i32
    %cond3A_6 = arith.cmpi ne, %convert_element_type3A, %cond3A : i32
    scf.if %cond3A_6 {
      %add3A_136 = arith.constant 0 : i32
      %add3A_137 = arith.addi %mul3A_2, %add3A_136 : i32
      %multiple_of3A = tpu.assume_multiple %add3A_137, 8 : i32
      %div3A_138 = arith.constant 0 : i32
      %div3A_139 = arith.constant 8 : i32
      %div3A_140 = arith.divsi %div3A_138, %div3A_139 : i32
      %rem3A_141 = arith.constant 2 : i32
      %rem3A_142 = arith.remsi %div3A_140, %rem3A_141 : i32
      "tpu.region"() ({
        %run_scoped3A = tpu.sem_alloc : memref<!tpu.dma_semaphore, #tpu.memory_space<semaphore_mem>>
        %dma_start3A_143 = arith.constant 0 : i32
        %dma_start3A_144 = arith.constant 0 : i32
        %dma_start3A_145 = tpu.memref_slice %arg5[%rem3A_142, %dma_start3A_143, %dma_start3A_144] : memref<2x8x256xi32, #tpu.memory_space<vmem>> -> memref<1x8x256xi32, #tpu.memory_space<vmem>>
        %dma_start3A_146 = tpu.memref_squeeze %dma_start3A_145 : memref<1x8x256xi32, #tpu.memory_space<vmem>> -> memref<8x256xi32, #tpu.memory_space<vmem>>
        %dma_start3A_147 = arith.constant 0 : i32
        %dma_start3A_148 = tpu.memref_slice %arg3[%multiple_of3A, %dma_start3A_147] : memref<16384x256xi32, #tpu.memory_space<hbm>> -> memref<8x256xi32, #tpu.memory_space<hbm>>
        %dma_start3A_149 = arith.constant 0 : i32
        %dma_start3A_150 = arith.constant 0 : i32
        %dma_start3A_151 = tpu.memref_slice %arg5[%rem3A_142, %dma_start3A_149, %dma_start3A_150] : memref<2x8x256xi32, #tpu.memory_space<vmem>> -> memref<1x8x256xi32, #tpu.memory_space<vmem>>
        %dma_start3A_152 = tpu.memref_squeeze %dma_start3A_151 : memref<1x8x256xi32, #tpu.memory_space<vmem>> -> memref<8x256xi32, #tpu.memory_space<vmem>>
        %dma_start3A_153 = arith.constant 0 : i32
        %dma_start3A_154 = tpu.memref_slice %arg3[%multiple_of3A, %dma_start3A_153] : memref<16384x256xi32, #tpu.memory_space<hbm>> -> memref<8x256xi32, #tpu.memory_space<hbm>>
        tpu.enqueue_dma source(%dma_start3A_154 : memref<8x256xi32, #tpu.memory_space<hbm>>) target(%dma_start3A_152 : memref<8x256xi32, #tpu.memory_space<vmem>>) target_semaphore(%run_scoped3A : memref<!tpu.dma_semaphore, #tpu.memory_space<semaphore_mem>>)
        %dma_wait3A_155 = arith.constant 0 : i32
        %dma_wait3A_156 = arith.constant 0 : i32
        %dma_wait3A_157 = tpu.memref_slice %arg5[%rem3A_142, %dma_wait3A_155, %dma_wait3A_156] : memref<2x8x256xi32, #tpu.memory_space<vmem>> -> memref<1x8x256xi32, #tpu.memory_space<vmem>>
        %dma_wait3A_158 = tpu.memref_squeeze %dma_wait3A_157 : memref<1x8x256xi32, #tpu.memory_space<vmem>> -> memref<8x256xi32, #tpu.memory_space<vmem>>
        %dma_wait3A_159 = arith.constant 0 : i32
        %dma_wait3A_160 = tpu.memref_slice %arg3[%multiple_of3A, %dma_wait3A_159] : memref<16384x256xi32, #tpu.memory_space<hbm>> -> memref<8x256xi32, #tpu.memory_space<hbm>>
        %dma_wait3A_161 = arith.constant 0 : i32
        %dma_wait3A_162 = arith.constant 0 : i32
        %dma_wait3A_163 = tpu.memref_slice %arg5[%rem3A_142, %dma_wait3A_161, %dma_wait3A_162] : memref<2x8x256xi32, #tpu.memory_space<vmem>> -> memref<1x8x256xi32, #tpu.memory_space<vmem>>
        %dma_wait3A_164 = tpu.memref_squeeze %dma_wait3A_163 : memref<1x8x256xi32, #tpu.memory_space<vmem>> -> memref<8x256xi32, #tpu.memory_space<vmem>>
        %dma_wait3A_165 = arith.constant 0 : i32
        %dma_wait3A_166 = tpu.memref_slice %arg3[%multiple_of3A, %dma_wait3A_165] : memref<16384x256xi32, #tpu.memory_space<hbm>> -> memref<8x256xi32, #tpu.memory_space<hbm>>
        tpu.wait_dma2 semaphore(%run_scoped3A : memref<!tpu.dma_semaphore, #tpu.memory_space<semaphore_mem>>) src(%dma_wait3A_166 : memref<8x256xi32, #tpu.memory_space<hbm>>) dst(%dma_wait3A_164 : memref<8x256xi32, #tpu.memory_space<vmem>>)
        tpu.yield
      }) : () -> ()
    } else {
    }
    %div3A = arith.constant 0 : i32
    %div3A_7 = arith.constant 8 : i32
    %div3A_8 = arith.divsi %div3A, %div3A_7 : i32
    %rem3A_9 = arith.constant 2 : i32
    %rem3A_10 = arith.remsi %div3A_8, %rem3A_9 : i32
    %rem3A_11 = arith.constant 0 : i32
    %rem3A_12 = arith.constant 8 : i32
    %rem3A_13 = arith.remsi %rem3A_11, %rem3A_12 : i32
    %rem3A_14 = arith.constant 0 : i32
    %rem3A_15 = arith.constant 3 : i32
    %rem3A_16 = arith.remsi %rem3A_14, %rem3A_15 : i32
    %dma_start3A = arith.constant 0 : i32
    %dma_start3A_17 = arith.constant 0 : i32
    %dma_start3A_18 = tpu.memref_slice %arg6[%rem3A_16, %dma_start3A, %dma_start3A_17] : memref<3x256x128xf32, #tpu.memory_space<vmem>> -> memref<1x128x128xf32, #tpu.memory_space<vmem>>
    %dma_start3A_19 = tpu.memref_squeeze %dma_start3A_18 : memref<1x128x128xf32, #tpu.memory_space<vmem>> -> memref<128x128xf32, #tpu.memory_space<vmem>>
    %dma_start3A_20 = arith.constant 0 : i32
    %dma_start3A_21 = tpu.memref_slice %arg5[%rem3A_10, %rem3A_13, %dma_start3A_20] : memref<2x8x256xi32, #tpu.memory_space<vmem>> -> memref<1x1x128xi32, #tpu.memory_space<vmem>>
    %dma_start3A_22 = tpu.memref_squeeze %dma_start3A_21 : memref<1x1x128xi32, #tpu.memory_space<vmem>> -> memref<128xi32, #tpu.memory_space<vmem>>
    %dma_start3A_23 = arith.constant 0 : i32
    %dma_start3A_24 = arith.constant 0 : i32
    %dma_start3A_25 = tpu.memref_slice %arg2[%dma_start3A_23, %dma_start3A_24] : memref<1000000x128xf32, #tpu.memory_space<hbm>> -> memref<1000000x128xf32, #tpu.memory_space<hbm>>
    tpu.enqueue_indirect_dma source(%dma_start3A_25 : memref<1000000x128xf32, #tpu.memory_space<hbm>>) target(%dma_start3A_19 : memref<128x128xf32, #tpu.memory_space<vmem>>) offsets(%dma_start3A_22 : memref<128xi32, #tpu.memory_space<vmem>>) semaphore(%arg7 : memref<!tpu.dma_semaphore, #tpu.memory_space<semaphore_mem>>)
    %div3A_26 = arith.constant 0 : i32
    %div3A_27 = arith.constant 8 : i32
    %div3A_28 = arith.divsi %div3A_26, %div3A_27 : i32
    %rem3A_29 = arith.constant 2 : i32
    %rem3A_30 = arith.remsi %div3A_28, %rem3A_29 : i32
    %rem3A_31 = arith.constant 0 : i32
    %rem3A_32 = arith.constant 8 : i32
    %rem3A_33 = arith.remsi %rem3A_31, %rem3A_32 : i32
    %rem3A_34 = arith.constant 0 : i32
    %rem3A_35 = arith.constant 3 : i32
    %rem3A_36 = arith.remsi %rem3A_34, %rem3A_35 : i32
    %dma_start3A_37 = arith.constant 128 : i32
    %dma_start3A_38 = arith.constant 0 : i32
    %dma_start3A_39 = tpu.memref_slice %arg6[%rem3A_36, %dma_start3A_37, %dma_start3A_38] : memref<3x256x128xf32, #tpu.memory_space<vmem>> -> memref<1x128x128xf32, #tpu.memory_space<vmem>>
    %dma_start3A_40 = tpu.memref_squeeze %dma_start3A_39 : memref<1x128x128xf32, #tpu.memory_space<vmem>> -> memref<128x128xf32, #tpu.memory_space<vmem>>
    %dma_start3A_41 = arith.constant 128 : i32
    %dma_start3A_42 = tpu.memref_slice %arg5[%rem3A_30, %rem3A_33, %dma_start3A_41] : memref<2x8x256xi32, #tpu.memory_space<vmem>> -> memref<1x1x128xi32, #tpu.memory_space<vmem>>
    %dma_start3A_43 = tpu.memref_squeeze %dma_start3A_42 : memref<1x1x128xi32, #tpu.memory_space<vmem>> -> memref<128xi32, #tpu.memory_space<vmem>>
    %dma_start3A_44 = arith.constant 0 : i32
    %dma_start3A_45 = arith.constant 0 : i32
    %dma_start3A_46 = tpu.memref_slice %arg2[%dma_start3A_44, %dma_start3A_45] : memref<1000000x128xf32, #tpu.memory_space<hbm>> -> memref<1000000x128xf32, #tpu.memory_space<hbm>>
    tpu.enqueue_indirect_dma source(%dma_start3A_46 : memref<1000000x128xf32, #tpu.memory_space<hbm>>) target(%dma_start3A_40 : memref<128x128xf32, #tpu.memory_space<vmem>>) offsets(%dma_start3A_43 : memref<128xi32, #tpu.memory_space<vmem>>) semaphore(%arg7 : memref<!tpu.dma_semaphore, #tpu.memory_space<semaphore_mem>>)
    %rem3A_47 = arith.constant 1 : i32
    %rem3A_48 = arith.constant 8 : i32
    %rem3A_49 = arith.remsi %rem3A_47, %rem3A_48 : i32
    %eq3A_50 = arith.constant 0 : i32
    %eq3A_51 = arith.cmpi eq, %rem3A_49, %eq3A_50 : i32
    %convert_element_type3A_52 = arith.extui %eq3A_51 : i1 to i32
    %cond3A_53 = arith.constant 0 : i32
    %cond3A_54 = arith.cmpi ne, %convert_element_type3A_52, %cond3A_53 : i32
    scf.if %cond3A_54 {
      %add3A_136 = arith.constant 1 : i32
      %add3A_137 = arith.addi %mul3A_2, %add3A_136 : i32
      %multiple_of3A = tpu.assume_multiple %add3A_137, 8 : i32
      %div3A_138 = arith.constant 1 : i32
      %div3A_139 = arith.constant 8 : i32
      %div3A_140 = arith.divsi %div3A_138, %div3A_139 : i32
      %rem3A_141 = arith.constant 2 : i32
      %rem3A_142 = arith.remsi %div3A_140, %rem3A_141 : i32
      "tpu.region"() ({
        %run_scoped3A = tpu.sem_alloc : memref<!tpu.dma_semaphore, #tpu.memory_space<semaphore_mem>>
        %dma_start3A_143 = arith.constant 0 : i32
        %dma_start3A_144 = arith.constant 0 : i32
        %dma_start3A_145 = tpu.memref_slice %arg5[%rem3A_142, %dma_start3A_143, %dma_start3A_144] : memref<2x8x256xi32, #tpu.memory_space<vmem>> -> memref<1x8x256xi32, #tpu.memory_space<vmem>>
        %dma_start3A_146 = tpu.memref_squeeze %dma_start3A_145 : memref<1x8x256xi32, #tpu.memory_space<vmem>> -> memref<8x256xi32, #tpu.memory_space<vmem>>
        %dma_start3A_147 = arith.constant 0 : i32
        %dma_start3A_148 = tpu.memref_slice %arg3[%multiple_of3A, %dma_start3A_147] : memref<16384x256xi32, #tpu.memory_space<hbm>> -> memref<8x256xi32, #tpu.memory_space<hbm>>
        %dma_start3A_149 = arith.constant 0 : i32
        %dma_start3A_150 = arith.constant 0 : i32
        %dma_start3A_151 = tpu.memref_slice %arg5[%rem3A_142, %dma_start3A_149, %dma_start3A_150] : memref<2x8x256xi32, #tpu.memory_space<vmem>> -> memref<1x8x256xi32, #tpu.memory_space<vmem>>
        %dma_start3A_152 = tpu.memref_squeeze %dma_start3A_151 : memref<1x8x256xi32, #tpu.memory_space<vmem>> -> memref<8x256xi32, #tpu.memory_space<vmem>>
        %dma_start3A_153 = arith.constant 0 : i32
        %dma_start3A_154 = tpu.memref_slice %arg3[%multiple_of3A, %dma_start3A_153] : memref<16384x256xi32, #tpu.memory_space<hbm>> -> memref<8x256xi32, #tpu.memory_space<hbm>>
        tpu.enqueue_dma source(%dma_start3A_154 : memref<8x256xi32, #tpu.memory_space<hbm>>) target(%dma_start3A_152 : memref<8x256xi32, #tpu.memory_space<vmem>>) target_semaphore(%run_scoped3A : memref<!tpu.dma_semaphore, #tpu.memory_space<semaphore_mem>>)
        %dma_wait3A_155 = arith.constant 0 : i32
        %dma_wait3A_156 = arith.constant 0 : i32
        %dma_wait3A_157 = tpu.memref_slice %arg5[%rem3A_142, %dma_wait3A_155, %dma_wait3A_156] : memref<2x8x256xi32, #tpu.memory_space<vmem>> -> memref<1x8x256xi32, #tpu.memory_space<vmem>>
        %dma_wait3A_158 = tpu.memref_squeeze %dma_wait3A_157 : memref<1x8x256xi32, #tpu.memory_space<vmem>> -> memref<8x256xi32, #tpu.memory_space<vmem>>
        %dma_wait3A_159 = arith.constant 0 : i32
        %dma_wait3A_160 = tpu.memref_slice %arg3[%multiple_of3A, %dma_wait3A_159] : memref<16384x256xi32, #tpu.memory_space<hbm>> -> memref<8x256xi32, #tpu.memory_space<hbm>>
        %dma_wait3A_161 = arith.constant 0 : i32
        %dma_wait3A_162 = arith.constant 0 : i32
        %dma_wait3A_163 = tpu.memref_slice %arg5[%rem3A_142, %dma_wait3A_161, %dma_wait3A_162] : memref<2x8x256xi32, #tpu.memory_space<vmem>> -> memref<1x8x256xi32, #tpu.memory_space<vmem>>
        %dma_wait3A_164 = tpu.memref_squeeze %dma_wait3A_163 : memref<1x8x256xi32, #tpu.memory_space<vmem>> -> memref<8x256xi32, #tpu.memory_space<vmem>>
        %dma_wait3A_165 = arith.constant 0 : i32
        %dma_wait3A_166 = tpu.memref_slice %arg3[%multiple_of3A, %dma_wait3A_165] : memref<16384x256xi32, #tpu.memory_space<hbm>> -> memref<8x256xi32, #tpu.memory_space<hbm>>
        tpu.wait_dma2 semaphore(%run_scoped3A : memref<!tpu.dma_semaphore, #tpu.memory_space<semaphore_mem>>) src(%dma_wait3A_166 : memref<8x256xi32, #tpu.memory_space<hbm>>) dst(%dma_wait3A_164 : memref<8x256xi32, #tpu.memory_space<vmem>>)
        tpu.yield
      }) : () -> ()
    } else {
    }
    %div3A_55 = arith.constant 1 : i32
    %div3A_56 = arith.constant 8 : i32
    %div3A_57 = arith.divsi %div3A_55, %div3A_56 : i32
    %rem3A_58 = arith.constant 2 : i32
    %rem3A_59 = arith.remsi %div3A_57, %rem3A_58 : i32
    %rem3A_60 = arith.constant 1 : i32
    %rem3A_61 = arith.constant 8 : i32
    %rem3A_62 = arith.remsi %rem3A_60, %rem3A_61 : i32
    %rem3A_63 = arith.constant 1 : i32
    %rem3A_64 = arith.constant 3 : i32
    %rem3A_65 = arith.remsi %rem3A_63, %rem3A_64 : i32
    %dma_start3A_66 = arith.constant 0 : i32
    %dma_start3A_67 = arith.constant 0 : i32
    %dma_start3A_68 = tpu.memref_slice %arg6[%rem3A_65, %dma_start3A_66, %dma_start3A_67] : memref<3x256x128xf32, #tpu.memory_space<vmem>> -> memref<1x128x128xf32, #tpu.memory_space<vmem>>
    %dma_start3A_69 = tpu.memref_squeeze %dma_start3A_68 : memref<1x128x128xf32, #tpu.memory_space<vmem>> -> memref<128x128xf32, #tpu.memory_space<vmem>>
    %dma_start3A_70 = arith.constant 0 : i32
    %dma_start3A_71 = tpu.memref_slice %arg5[%rem3A_59, %rem3A_62, %dma_start3A_70] : memref<2x8x256xi32, #tpu.memory_space<vmem>> -> memref<1x1x128xi32, #tpu.memory_space<vmem>>
    %dma_start3A_72 = tpu.memref_squeeze %dma_start3A_71 : memref<1x1x128xi32, #tpu.memory_space<vmem>> -> memref<128xi32, #tpu.memory_space<vmem>>
    %dma_start3A_73 = arith.constant 0 : i32
    %dma_start3A_74 = arith.constant 0 : i32
    %dma_start3A_75 = tpu.memref_slice %arg2[%dma_start3A_73, %dma_start3A_74] : memref<1000000x128xf32, #tpu.memory_space<hbm>> -> memref<1000000x128xf32, #tpu.memory_space<hbm>>
    tpu.enqueue_indirect_dma source(%dma_start3A_75 : memref<1000000x128xf32, #tpu.memory_space<hbm>>) target(%dma_start3A_69 : memref<128x128xf32, #tpu.memory_space<vmem>>) offsets(%dma_start3A_72 : memref<128xi32, #tpu.memory_space<vmem>>) semaphore(%arg7 : memref<!tpu.dma_semaphore, #tpu.memory_space<semaphore_mem>>)
    %div3A_76 = arith.constant 1 : i32
    %div3A_77 = arith.constant 8 : i32
    %div3A_78 = arith.divsi %div3A_76, %div3A_77 : i32
    %rem3A_79 = arith.constant 2 : i32
    %rem3A_80 = arith.remsi %div3A_78, %rem3A_79 : i32
    %rem3A_81 = arith.constant 1 : i32
    %rem3A_82 = arith.constant 8 : i32
    %rem3A_83 = arith.remsi %rem3A_81, %rem3A_82 : i32
    %rem3A_84 = arith.constant 1 : i32
    %rem3A_85 = arith.constant 3 : i32
    %rem3A_86 = arith.remsi %rem3A_84, %rem3A_85 : i32
    %dma_start3A_87 = arith.constant 128 : i32
    %dma_start3A_88 = arith.constant 0 : i32
    %dma_start3A_89 = tpu.memref_slice %arg6[%rem3A_86, %dma_start3A_87, %dma_start3A_88] : memref<3x256x128xf32, #tpu.memory_space<vmem>> -> memref<1x128x128xf32, #tpu.memory_space<vmem>>
    %dma_start3A_90 = tpu.memref_squeeze %dma_start3A_89 : memref<1x128x128xf32, #tpu.memory_space<vmem>> -> memref<128x128xf32, #tpu.memory_space<vmem>>
    %dma_start3A_91 = arith.constant 128 : i32
    %dma_start3A_92 = tpu.memref_slice %arg5[%rem3A_80, %rem3A_83, %dma_start3A_91] : memref<2x8x256xi32, #tpu.memory_space<vmem>> -> memref<1x1x128xi32, #tpu.memory_space<vmem>>
    %dma_start3A_93 = tpu.memref_squeeze %dma_start3A_92 : memref<1x1x128xi32, #tpu.memory_space<vmem>> -> memref<128xi32, #tpu.memory_space<vmem>>
    %dma_start3A_94 = arith.constant 0 : i32
    %dma_start3A_95 = arith.constant 0 : i32
    %dma_start3A_96 = tpu.memref_slice %arg2[%dma_start3A_94, %dma_start3A_95] : memref<1000000x128xf32, #tpu.memory_space<hbm>> -> memref<1000000x128xf32, #tpu.memory_space<hbm>>
    tpu.enqueue_indirect_dma source(%dma_start3A_96 : memref<1000000x128xf32, #tpu.memory_space<hbm>>) target(%dma_start3A_90 : memref<128x128xf32, #tpu.memory_space<vmem>>) offsets(%dma_start3A_93 : memref<128xi32, #tpu.memory_space<vmem>>) semaphore(%arg7 : memref<!tpu.dma_semaphore, #tpu.memory_space<semaphore_mem>>)
    %scan3A = arith.constant 2 : i32
    %scan3A_97 = arith.constant 512 : i32
    %scan3A_98 = arith.addi %scan3A, %scan3A_97 : i32
    %scan3A_99 = arith.constant 1 : i32
    scf.for %scan3A_136 = %scan3A to %scan3A_98 step %scan3A_99  : i32 {
      %ge3A = arith.constant 4 : i32
      %ge3A_137 = arith.cmpi sge, %scan3A_136, %ge3A : i32
      %convert_element_type3A_138 = arith.extui %ge3A_137 : i1 to i32
      %cond3A_139 = arith.constant 0 : i32
      %cond3A_140 = arith.cmpi ne, %convert_element_type3A_138, %cond3A_139 : i32
      scf.if %cond3A_140 {
        %dma_wait3A_185 = arith.constant 0 : i32
        %dma_wait3A_186 = arith.constant 0 : i32
        %dma_wait3A_187 = arith.constant 0 : i32
        %dma_wait3A_188 = arith.constant 0 : i32
        %dma_wait3A_189 = tpu.memref_slice %arg6[%dma_wait3A_185, %dma_wait3A_187, %dma_wait3A_188] : memref<3x256x128xf32, #tpu.memory_space<vmem>> -> memref<1x200x128xf32, #tpu.memory_space<vmem>>
        %dma_wait3A_190 = tpu.memref_squeeze %dma_wait3A_189 : memref<1x200x128xf32, #tpu.memory_space<vmem>> -> memref<200x128xf32, #tpu.memory_space<vmem>>
        %dma_wait3A_191 = arith.constant 0 : i32
        %dma_wait3A_192 = arith.constant 0 : i32
        %dma_wait3A_193 = tpu.memref_slice %arg4[%dma_wait3A_186, %dma_wait3A_191, %dma_wait3A_192] : memref<16384x200x128xf32, #tpu.memory_space<hbm>> -> memref<1x200x128xf32, #tpu.memory_space<hbm>>
        %dma_wait3A_194 = tpu.memref_squeeze %dma_wait3A_193 : memref<1x200x128xf32, #tpu.memory_space<hbm>> -> memref<200x128xf32, #tpu.memory_space<hbm>>
        %dma_wait3A_195 = arith.constant 0 : i32
        %dma_wait3A_196 = arith.constant 0 : i32
        %dma_wait3A_197 = tpu.memref_slice %arg4[%dma_wait3A_186, %dma_wait3A_195, %dma_wait3A_196] : memref<16384x200x128xf32, #tpu.memory_space<hbm>> -> memref<1x200x128xf32, #tpu.memory_space<hbm>>
        %dma_wait3A_198 = tpu.memref_squeeze %dma_wait3A_197 : memref<1x200x128xf32, #tpu.memory_space<hbm>> -> memref<200x128xf32, #tpu.memory_space<hbm>>
        %dma_wait3A_199 = arith.constant 0 : i32
        %dma_wait3A_200 = arith.constant 0 : i32
        %dma_wait3A_201 = tpu.memref_slice %arg6[%dma_wait3A_185, %dma_wait3A_199, %dma_wait3A_200] : memref<3x256x128xf32, #tpu.memory_space<vmem>> -> memref<1x200x128xf32, #tpu.memory_space<vmem>>
        %dma_wait3A_202 = tpu.memref_squeeze %dma_wait3A_201 : memref<1x200x128xf32, #tpu.memory_space<vmem>> -> memref<200x128xf32, #tpu.memory_space<vmem>>
        tpu.wait_dma2 semaphore(%arg8 : memref<!tpu.dma_semaphore, #tpu.memory_space<semaphore_mem>>) src(%dma_wait3A_202 : memref<200x128xf32, #tpu.memory_space<vmem>>) dst(%dma_wait3A_198 : memref<200x128xf32, #tpu.memory_space<hbm>>)
      } else {
      }
      %sub3A = arith.constant 2 : i32
      %sub3A_141 = arith.subi %scan3A_136, %sub3A : i32
      %rem3A_142 = arith.constant 3 : i32
      %rem3A_143 = arith.remsi %sub3A_141, %rem3A_142 : i32
      %dma_wait3A_144 = arith.constant 0 : i32
      %dma_wait3A_145 = arith.constant 0 : i32
      %dma_wait3A_146 = tpu.memref_slice %arg6[%rem3A_143, %dma_wait3A_144, %dma_wait3A_145] : memref<3x256x128xf32, #tpu.memory_space<vmem>> -> memref<1x256x128xf32, #tpu.memory_space<vmem>>
      %dma_wait3A_147 = tpu.memref_squeeze %dma_wait3A_146 : memref<1x256x128xf32, #tpu.memory_space<vmem>> -> memref<256x128xf32, #tpu.memory_space<vmem>>
      %dma_wait3A_148 = arith.constant 0 : i32
      %dma_wait3A_149 = arith.constant 0 : i32
      %dma_wait3A_150 = tpu.memref_slice %arg2[%dma_wait3A_148, %dma_wait3A_149] : memref<1000000x128xf32, #tpu.memory_space<hbm>> -> memref<256x128xf32, #tpu.memory_space<hbm>>
      %dma_wait3A_151 = arith.constant 0 : i32
      %dma_wait3A_152 = arith.constant 0 : i32
      %dma_wait3A_153 = tpu.memref_slice %arg6[%rem3A_143, %dma_wait3A_151, %dma_wait3A_152] : memref<3x256x128xf32, #tpu.memory_space<vmem>> -> memref<1x256x128xf32, #tpu.memory_space<vmem>>
      %dma_wait3A_154 = tpu.memref_squeeze %dma_wait3A_153 : memref<1x256x128xf32, #tpu.memory_space<vmem>> -> memref<256x128xf32, #tpu.memory_space<vmem>>
      %dma_wait3A_155 = arith.constant 0 : i32
      %dma_wait3A_156 = arith.constant 0 : i32
      %dma_wait3A_157 = tpu.memref_slice %arg2[%dma_wait3A_155, %dma_wait3A_156] : memref<1000000x128xf32, #tpu.memory_space<hbm>> -> memref<256x128xf32, #tpu.memory_space<hbm>>
      tpu.wait_dma2 semaphore(%arg7 : memref<!tpu.dma_semaphore, #tpu.memory_space<semaphore_mem>>) src(%dma_wait3A_157 : memref<256x128xf32, #tpu.memory_space<hbm>>) dst(%dma_wait3A_154 : memref<256x128xf32, #tpu.memory_space<vmem>>)
      %lt3A = arith.constant 512 : i32
      %lt3A_158 = arith.cmpi slt, %scan3A_136, %lt3A : i32
      %convert_element_type3A_159 = arith.extui %lt3A_158 : i1 to i32
      %cond3A_160 = arith.constant 0 : i32
      %cond3A_161 = arith.cmpi ne, %convert_element_type3A_159, %cond3A_160 : i32
      scf.if %cond3A_161 {
        %rem3A_185 = arith.constant 8 : i32
        %rem3A_186 = arith.remsi %scan3A_136, %rem3A_185 : i32
        %eq3A_187 = arith.constant 0 : i32
        %eq3A_188 = arith.cmpi eq, %rem3A_186, %eq3A_187 : i32
        %convert_element_type3A_189 = arith.extui %eq3A_188 : i1 to i32
        %cond3A_190 = arith.constant 0 : i32
        %cond3A_191 = arith.cmpi ne, %convert_element_type3A_189, %cond3A_190 : i32
        scf.if %cond3A_191 {
          %add3A_228 = arith.addi %mul3A_2, %scan3A_136 : i32
          %multiple_of3A = tpu.assume_multiple %add3A_228, 8 : i32
          %div3A_229 = arith.constant 8 : i32
          %div3A_230 = arith.divsi %scan3A_136, %div3A_229 : i32
          %rem3A_231 = arith.constant 2 : i32
          %rem3A_232 = arith.remsi %div3A_230, %rem3A_231 : i32
          "tpu.region"() ({
            %run_scoped3A = tpu.sem_alloc : memref<!tpu.dma_semaphore, #tpu.memory_space<semaphore_mem>>
            %dma_start3A_233 = arith.constant 0 : i32
            %dma_start3A_234 = arith.constant 0 : i32
            %dma_start3A_235 = tpu.memref_slice %arg5[%rem3A_232, %dma_start3A_233, %dma_start3A_234] : memref<2x8x256xi32, #tpu.memory_space<vmem>> -> memref<1x8x256xi32, #tpu.memory_space<vmem>>
            %dma_start3A_236 = tpu.memref_squeeze %dma_start3A_235 : memref<1x8x256xi32, #tpu.memory_space<vmem>> -> memref<8x256xi32, #tpu.memory_space<vmem>>
            %dma_start3A_237 = arith.constant 0 : i32
            %dma_start3A_238 = tpu.memref_slice %arg3[%multiple_of3A, %dma_start3A_237] : memref<16384x256xi32, #tpu.memory_space<hbm>> -> memref<8x256xi32, #tpu.memory_space<hbm>>
            %dma_start3A_239 = arith.constant 0 : i32
            %dma_start3A_240 = arith.constant 0 : i32
            %dma_start3A_241 = tpu.memref_slice %arg5[%rem3A_232, %dma_start3A_239, %dma_start3A_240] : memref<2x8x256xi32, #tpu.memory_space<vmem>> -> memref<1x8x256xi32, #tpu.memory_space<vmem>>
            %dma_start3A_242 = tpu.memref_squeeze %dma_start3A_241 : memref<1x8x256xi32, #tpu.memory_space<vmem>> -> memref<8x256xi32, #tpu.memory_space<vmem>>
            %dma_start3A_243 = arith.constant 0 : i32
            %dma_start3A_244 = tpu.memref_slice %arg3[%multiple_of3A, %dma_start3A_243] : memref<16384x256xi32, #tpu.memory_space<hbm>> -> memref<8x256xi32, #tpu.memory_space<hbm>>
            tpu.enqueue_dma source(%dma_start3A_244 : memref<8x256xi32, #tpu.memory_space<hbm>>) target(%dma_start3A_242 : memref<8x256xi32, #tpu.memory_space<vmem>>) target_semaphore(%run_scoped3A : memref<!tpu.dma_semaphore, #tpu.memory_space<semaphore_mem>>)
            %dma_wait3A_245 = arith.constant 0 : i32
            %dma_wait3A_246 = arith.constant 0 : i32
            %dma_wait3A_247 = tpu.memref_slice %arg5[%rem3A_232, %dma_wait3A_245, %dma_wait3A_246] : memref<2x8x256xi32, #tpu.memory_space<vmem>> -> memref<1x8x256xi32, #tpu.memory_space<vmem>>
            %dma_wait3A_248 = tpu.memref_squeeze %dma_wait3A_247 : memref<1x8x256xi32, #tpu.memory_space<vmem>> -> memref<8x256xi32, #tpu.memory_space<vmem>>
            %dma_wait3A_249 = arith.constant 0 : i32
            %dma_wait3A_250 = tpu.memref_slice %arg3[%multiple_of3A, %dma_wait3A_249] : memref<16384x256xi32, #tpu.memory_space<hbm>> -> memref<8x256xi32, #tpu.memory_space<hbm>>
            %dma_wait3A_251 = arith.constant 0 : i32
            %dma_wait3A_252 = arith.constant 0 : i32
            %dma_wait3A_253 = tpu.memref_slice %arg5[%rem3A_232, %dma_wait3A_251, %dma_wait3A_252] : memref<2x8x256xi32, #tpu.memory_space<vmem>> -> memref<1x8x256xi32, #tpu.memory_space<vmem>>
            %dma_wait3A_254 = tpu.memref_squeeze %dma_wait3A_253 : memref<1x8x256xi32, #tpu.memory_space<vmem>> -> memref<8x256xi32, #tpu.memory_space<vmem>>
            %dma_wait3A_255 = arith.constant 0 : i32
            %dma_wait3A_256 = tpu.memref_slice %arg3[%multiple_of3A, %dma_wait3A_255] : memref<16384x256xi32, #tpu.memory_space<hbm>> -> memref<8x256xi32, #tpu.memory_space<hbm>>
            tpu.wait_dma2 semaphore(%run_scoped3A : memref<!tpu.dma_semaphore, #tpu.memory_space<semaphore_mem>>) src(%dma_wait3A_256 : memref<8x256xi32, #tpu.memory_space<hbm>>) dst(%dma_wait3A_254 : memref<8x256xi32, #tpu.memory_space<vmem>>)
            tpu.yield
          }) : () -> ()
        } else {
        }
        %div3A_192 = arith.constant 8 : i32
        %div3A_193 = arith.divsi %scan3A_136, %div3A_192 : i32
        %rem3A_194 = arith.constant 2 : i32
        %rem3A_195 = arith.remsi %div3A_193, %rem3A_194 : i32
        %rem3A_196 = arith.constant 8 : i32
        %rem3A_197 = arith.remsi %scan3A_136, %rem3A_196 : i32
        %rem3A_198 = arith.constant 3 : i32
        %rem3A_199 = arith.remsi %scan3A_136, %rem3A_198 : i32
        %dma_start3A_200 = arith.constant 0 : i32
        %dma_start3A_201 = arith.constant 0 : i32
        %dma_start3A_202 = tpu.memref_slice %arg6[%rem3A_199, %dma_start3A_200, %dma_start3A_201] : memref<3x256x128xf32, #tpu.memory_space<vmem>> -> memref<1x128x128xf32, #tpu.memory_space<vmem>>
        %dma_start3A_203 = tpu.memref_squeeze %dma_start3A_202 : memref<1x128x128xf32, #tpu.memory_space<vmem>> -> memref<128x128xf32, #tpu.memory_space<vmem>>
        %dma_start3A_204 = arith.constant 0 : i32
        %dma_start3A_205 = tpu.memref_slice %arg5[%rem3A_195, %rem3A_197, %dma_start3A_204] : memref<2x8x256xi32, #tpu.memory_space<vmem>> -> memref<1x1x128xi32, #tpu.memory_space<vmem>>
        %dma_start3A_206 = tpu.memref_squeeze %dma_start3A_205 : memref<1x1x128xi32, #tpu.memory_space<vmem>> -> memref<128xi32, #tpu.memory_space<vmem>>
        %dma_start3A_207 = arith.constant 0 : i32
        %dma_start3A_208 = arith.constant 0 : i32
        %dma_start3A_209 = tpu.memref_slice %arg2[%dma_start3A_207, %dma_start3A_208] : memref<1000000x128xf32, #tpu.memory_space<hbm>> -> memref<1000000x128xf32, #tpu.memory_space<hbm>>
        tpu.enqueue_indirect_dma source(%dma_start3A_209 : memref<1000000x128xf32, #tpu.memory_space<hbm>>) target(%dma_start3A_203 : memref<128x128xf32, #tpu.memory_space<vmem>>) offsets(%dma_start3A_206 : memref<128xi32, #tpu.memory_space<vmem>>) semaphore(%arg7 : memref<!tpu.dma_semaphore, #tpu.memory_space<semaphore_mem>>)
        %div3A_210 = arith.constant 8 : i32
        %div3A_211 = arith.divsi %scan3A_136, %div3A_210 : i32
        %rem3A_212 = arith.constant 2 : i32
        %rem3A_213 = arith.remsi %div3A_211, %rem3A_212 : i32
        %rem3A_214 = arith.constant 8 : i32
        %rem3A_215 = arith.remsi %scan3A_136, %rem3A_214 : i32
        %rem3A_216 = arith.constant 3 : i32
        %rem3A_217 = arith.remsi %scan3A_136, %rem3A_216 : i32
        %dma_start3A_218 = arith.constant 128 : i32
        %dma_start3A_219 = arith.constant 0 : i32
        %dma_start3A_220 = tpu.memref_slice %arg6[%rem3A_217, %dma_start3A_218, %dma_start3A_219] : memref<3x256x128xf32, #tpu.memory_space<vmem>> -> memref<1x128x128xf32, #tpu.memory_space<vmem>>
        %dma_start3A_221 = tpu.memref_squeeze %dma_start3A_220 : memref<1x128x128xf32, #tpu.memory_space<vmem>> -> memref<128x128xf32, #tpu.memory_space<vmem>>
        %dma_start3A_222 = arith.constant 128 : i32
        %dma_start3A_223 = tpu.memref_slice %arg5[%rem3A_213, %rem3A_215, %dma_start3A_222] : memref<2x8x256xi32, #tpu.memory_space<vmem>> -> memref<1x1x128xi32, #tpu.memory_space<vmem>>
        %dma_start3A_224 = tpu.memref_squeeze %dma_start3A_223 : memref<1x1x128xi32, #tpu.memory_space<vmem>> -> memref<128xi32, #tpu.memory_space<vmem>>
        %dma_start3A_225 = arith.constant 0 : i32
        %dma_start3A_226 = arith.constant 0 : i32
        %dma_start3A_227 = tpu.memref_slice %arg2[%dma_start3A_225, %dma_start3A_226] : memref<1000000x128xf32, #tpu.memory_space<hbm>> -> memref<1000000x128xf32, #tpu.memory_space<hbm>>
        tpu.enqueue_indirect_dma source(%dma_start3A_227 : memref<1000000x128xf32, #tpu.memory_space<hbm>>) target(%dma_start3A_221 : memref<128x128xf32, #tpu.memory_space<vmem>>) offsets(%dma_start3A_224 : memref<128xi32, #tpu.memory_space<vmem>>) semaphore(%arg7 : memref<!tpu.dma_semaphore, #tpu.memory_space<semaphore_mem>>)
      } else {
      }
      %sub3A_162 = arith.constant 2 : i32
      %sub3A_163 = arith.subi %scan3A_136, %sub3A_162 : i32
      %rem3A_164 = arith.constant 3 : i32
      %rem3A_165 = arith.remsi %sub3A_163, %rem3A_164 : i32
      %add3A_166 = arith.addi %mul3A_2, %scan3A_136 : i32
      %sub3A_167 = arith.constant 2 : i32
      %sub3A_168 = arith.subi %add3A_166, %sub3A_167 : i32
      %dma_start3A_169 = arith.constant 0 : i32
      %dma_start3A_170 = arith.constant 0 : i32
      %dma_start3A_171 = tpu.memref_slice %arg6[%rem3A_165, %dma_start3A_169, %dma_start3A_170] : memref<3x256x128xf32, #tpu.memory_space<vmem>> -> memref<1x200x128xf32, #tpu.memory_space<vmem>>
      %dma_start3A_172 = tpu.memref_squeeze %dma_start3A_171 : memref<1x200x128xf32, #tpu.memory_space<vmem>> -> memref<200x128xf32, #tpu.memory_space<vmem>>
      %dma_start3A_173 = arith.constant 0 : i32
      %dma_start3A_174 = arith.constant 0 : i32
      %dma_start3A_175 = tpu.memref_slice %arg4[%sub3A_168, %dma_start3A_173, %dma_start3A_174] : memref<16384x200x128xf32, #tpu.memory_space<hbm>> -> memref<1x200x128xf32, #tpu.memory_space<hbm>>
      %dma_start3A_176 = tpu.memref_squeeze %dma_start3A_175 : memref<1x200x128xf32, #tpu.memory_space<hbm>> -> memref<200x128xf32, #tpu.memory_space<hbm>>
      %dma_start3A_177 = arith.constant 0 : i32
      %dma_start3A_178 = arith.constant 0 : i32
      %dma_start3A_179 = tpu.memref_slice %arg4[%sub3A_168, %dma_start3A_177, %dma_start3A_178] : memref<16384x200x128xf32, #tpu.memory_space<hbm>> -> memref<1x200x128xf32, #tpu.memory_space<hbm>>
      %dma_start3A_180 = tpu.memref_squeeze %dma_start3A_179 : memref<1x200x128xf32, #tpu.memory_space<hbm>> -> memref<200x128xf32, #tpu.memory_space<hbm>>
      %dma_start3A_181 = arith.constant 0 : i32
      %dma_start3A_182 = arith.constant 0 : i32
      %dma_start3A_183 = tpu.memref_slice %arg6[%rem3A_165, %dma_start3A_181, %dma_start3A_182] : memref<3x256x128xf32, #tpu.memory_space<vmem>> -> memref<1x200x128xf32, #tpu.memory_space<vmem>>
      %dma_start3A_184 = tpu.memref_squeeze %dma_start3A_183 : memref<1x200x128xf32, #tpu.memory_space<vmem>> -> memref<200x128xf32, #tpu.memory_space<vmem>>
      tpu.enqueue_dma source(%dma_start3A_184 : memref<200x128xf32, #tpu.memory_space<vmem>>) target(%dma_start3A_180 : memref<200x128xf32, #tpu.memory_space<hbm>>) target_semaphore(%arg8 : memref<!tpu.dma_semaphore, #tpu.memory_space<semaphore_mem>>)
    }
    %scan3A_100 = arith.constant 512 : i32
    %dma_wait3A = arith.constant 0 : i32
    %dma_wait3A_101 = arith.constant 0 : i32
    %dma_wait3A_102 = arith.constant 0 : i32
    %dma_wait3A_103 = arith.constant 0 : i32
    %dma_wait3A_104 = tpu.memref_slice %arg6[%dma_wait3A, %dma_wait3A_102, %dma_wait3A_103] : memref<3x256x128xf32, #tpu.memory_space<vmem>> -> memref<1x200x128xf32, #tpu.memory_space<vmem>>
    %dma_wait3A_105 = tpu.memref_squeeze %dma_wait3A_104 : memref<1x200x128xf32, #tpu.memory_space<vmem>> -> memref<200x128xf32, #tpu.memory_space<vmem>>
    %dma_wait3A_106 = arith.constant 0 : i32
    %dma_wait3A_107 = arith.constant 0 : i32
    %dma_wait3A_108 = tpu.memref_slice %arg4[%dma_wait3A_101, %dma_wait3A_106, %dma_wait3A_107] : memref<16384x200x128xf32, #tpu.memory_space<hbm>> -> memref<1x200x128xf32, #tpu.memory_space<hbm>>
    %dma_wait3A_109 = tpu.memref_squeeze %dma_wait3A_108 : memref<1x200x128xf32, #tpu.memory_space<hbm>> -> memref<200x128xf32, #tpu.memory_space<hbm>>
    %dma_wait3A_110 = arith.constant 0 : i32
    %dma_wait3A_111 = arith.constant 0 : i32
    %dma_wait3A_112 = tpu.memref_slice %arg4[%dma_wait3A_101, %dma_wait3A_110, %dma_wait3A_111] : memref<16384x200x128xf32, #tpu.memory_space<hbm>> -> memref<1x200x128xf32, #tpu.memory_space<hbm>>
    %dma_wait3A_113 = tpu.memref_squeeze %dma_wait3A_112 : memref<1x200x128xf32, #tpu.memory_space<hbm>> -> memref<200x128xf32, #tpu.memory_space<hbm>>
    %dma_wait3A_114 = arith.constant 0 : i32
    %dma_wait3A_115 = arith.constant 0 : i32
    %dma_wait3A_116 = tpu.memref_slice %arg6[%dma_wait3A, %dma_wait3A_114, %dma_wait3A_115] : memref<3x256x128xf32, #tpu.memory_space<vmem>> -> memref<1x200x128xf32, #tpu.memory_space<vmem>>
    %dma_wait3A_117 = tpu.memref_squeeze %dma_wait3A_116 : memref<1x200x128xf32, #tpu.memory_space<vmem>> -> memref<200x128xf32, #tpu.memory_space<vmem>>
    tpu.wait_dma2 semaphore(%arg8 : memref<!tpu.dma_semaphore, #tpu.memory_space<semaphore_mem>>) src(%dma_wait3A_117 : memref<200x128xf32, #tpu.memory_space<vmem>>) dst(%dma_wait3A_113 : memref<200x128xf32, #tpu.memory_space<hbm>>)
    %dma_wait3A_118 = arith.constant 0 : i32
    %dma_wait3A_119 = arith.constant 0 : i32
    %dma_wait3A_120 = arith.constant 0 : i32
    %dma_wait3A_121 = arith.constant 0 : i32
    %dma_wait3A_122 = tpu.memref_slice %arg6[%dma_wait3A_118, %dma_wait3A_120, %dma_wait3A_121] : memref<3x256x128xf32, #tpu.memory_space<vmem>> -> memref<1x200x128xf32, #tpu.memory_space<vmem>>
    %dma_wait3A_123 = tpu.memref_squeeze %dma_wait3A_122 : memref<1x200x128xf32, #tpu.memory_space<vmem>> -> memref<200x128xf32, #tpu.memory_space<vmem>>
    %dma_wait3A_124 = arith.constant 0 : i32
    %dma_wait3A_125 = arith.constant 0 : i32
    %dma_wait3A_126 = tpu.memref_slice %arg4[%dma_wait3A_119, %dma_wait3A_124, %dma_wait3A_125] : memref<16384x200x128xf32, #tpu.memory_space<hbm>> -> memref<1x200x128xf32, #tpu.memory_space<hbm>>
    %dma_wait3A_127 = tpu.memref_squeeze %dma_wait3A_126 : memref<1x200x128xf32, #tpu.memory_space<hbm>> -> memref<200x128xf32, #tpu.memory_space<hbm>>
    %dma_wait3A_128 = arith.constant 0 : i32
    %dma_wait3A_129 = arith.constant 0 : i32
    %dma_wait3A_130 = tpu.memref_slice %arg4[%dma_wait3A_119, %dma_wait3A_128, %dma_wait3A_129] : memref<16384x200x128xf32, #tpu.memory_space<hbm>> -> memref<1x200x128xf32, #tpu.memory_space<hbm>>
    %dma_wait3A_131 = tpu.memref_squeeze %dma_wait3A_130 : memref<1x200x128xf32, #tpu.memory_space<hbm>> -> memref<200x128xf32, #tpu.memory_space<hbm>>
    %dma_wait3A_132 = arith.constant 0 : i32
    %dma_wait3A_133 = arith.constant 0 : i32
    %dma_wait3A_134 = tpu.memref_slice %arg6[%dma_wait3A_118, %dma_wait3A_132, %dma_wait3A_133] : memref<3x256x128xf32, #tpu.memory_space<vmem>> -> memref<1x200x128xf32, #tpu.memory_space<vmem>>
    %dma_wait3A_135 = tpu.memref_squeeze %dma_wait3A_134 : memref<1x200x128xf32, #tpu.memory_space<vmem>> -> memref<200x128xf32, #tpu.memory_space<vmem>>
    tpu.wait_dma2 semaphore(%arg8 : memref<!tpu.dma_semaphore, #tpu.memory_space<semaphore_mem>>) src(%dma_wait3A_135 : memref<200x128xf32, #tpu.memory_space<vmem>>) dst(%dma_wait3A_131 : memref<200x128xf32, #tpu.memory_space<hbm>>)
    return
  }
}

</mosaic_0001>

<sc_bundles>
// kernel: kernel.3.cloned.1.call-start
scs
__scs_entry_jumppad:
0x0: {  	(pc) =	sbr.rel $0x88, $3  }
0x1: {  	(tag) =	ssettag $0x0;
	lr =	simm.s32 $0x1  }
0x2: {  	[smem:$0x3F9F] =	sst lr;
	_ =	strace $0xD0000000  }
0x3: {  	_ = 	snop  }
0x4: {  	_ = 	snop  }
0x5: {  	_ = 	snop  }
0x6: {  	_ = 	snop  }
0x7: {  	_ = 	snop  }
__scs_overlays_trampoline_lowered:
0x8: {  	[smem:$0x3FAE] =	sst s0  }
0x9: {  	[smem:$0x3FAF] =	sst s1  }
0xa: {  	[smem:$0x3FB0] =	sst s2  }
0xb: {  	[smem:$0x3FB1] =	sst s3  }
0xc: {  	[smem:$0x3FB2] =	sst s4  }
0xd: {  	[smem:$0x3FB3] =	sst s5  }
0xe: {  	[smem:$0x3FB4] =	sst s6  }
0xf: {  	[smem:$0x3FB5] =	sst s7  }
0x10: {  	[smem:$0x3FB6] =	sst s8  }
0x11: {  	[smem:$0x3FB7] =	sst s9;
	s0 =	simm.s32 @!p0 $0x0  }
0x12: {  	s1 =	sld [smem:$0x3F9D];
	s0 =	simm.s32 @p0 $0x1  }
0x13: {  	[smem:$0x3FB8] =	sst s0;
	s0 =	simm.s32 @!p1 $0x0  }
0x14: {  	s2 =	sld [smem:$0x3F9C];
	s0 =	simm.s32 @p1 $0x1  }
0x15: {  	[smem:$0x3FB9] =	sst s0;
	s0 =	simm.s32 @!p2 $0x0  }
0x16: {  	s3 =	sld [smem:$0x3FDB];
	s0 =	simm.s32 @p2 $0x1  }
0x17: {  	s4 =	simm.s32 $0x1BF5;
	[smem:$0x3FBB] =	sst s0  }
0x18: {  	s0 =	sld [smem:$0x3F9E];
	_ =	swait.ge [sflag:s4], $0x0  }
0x19: {  	s7 =	sld [smem:$0x3F9F]  }
0x1a: {  	s8 =	sadd.s32 $0xFFFFE003, lr  }
0x1b: {  	s9 =	sadd.s32 $0xFFFFFEF7, lr;
	s5 =	simm.s32 $0xFFFFFFFF;
	p2 =	slt.u32 s8, $0xFFFFF086  }
0x1c: {  	p1 =	slt.u32 s9, $0xF7A;
	s5 =	simm.s32 @!p2 $0x0  }
0x1d: {  	s5 =	simm.s32 @p1 $0x1;
	p0 =	seq.s32 s7, s2  }
0x1e: {  	s7 =	smul.u32 @!p0 $0xF7A, s2;
	p2 =	seq.s32 @!p0 s5, $0x0  }
0x1f: {  	s9 =	smul.u32 $0xF7A, s1;
	s8 =	simm.s32 @!p0 $0x1BF5;
	p2 =	por !p2, p0  }
0x20: {  	[sflag:s8] =	ssyncset.s32 @!p0 $0xFFFFF086;
	s6 =	sadd.s32 @!p0 s3, s7;
	s7 =	simm.s32 @!p0 $0x108  }
0x21: {  	s3 =	sadd.s32 s3, s9;
	s6 =	sadd.s32 @!p0 $0x88, s6;
	s7 =	simm.s32 @p2 $0x1082  }
0x22: {  	[simem:s7], [sflag:s8] =	dma.local @!p0 [hbm:s6], $0xF7A  }
0x23: {  	s9 =	sor.u32 $0xD0000000, s2;
	s6 =	simm.s32 $0x108;
	_ =	swait.ge @!p0 [sflag:s8], $0x0  }
0x24: {  	s3 =	sadd.s32 $0x88, s3;
	s6 =	simm.s32 @!p1 $0x1082;
	[sflag:s4] =	ssyncset.s32 $0xFFFFF086  }
0x25: {  	[simem:s6], [sflag:s4] =	dma.local [hbm:s3], $0xF7A  }
0x26: {  	[smem:$0x3F9F] =	sst s1;
	(tag) =	ssettag s2;
	_ =	strace s9  }
0x27: {  	s1 =	sld [smem:$0x3FAF]  }
0x28: {  	s2 =	sld [smem:$0x3FB0]  }
0x29: {  	s4 =	sld [smem:$0x3FB2]  }
0x2a: {  	p0 =	seq.s32 s5, $0x0;
	s5 =	sld [smem:$0x3FB3]  }
0x2b: {  	s6 =	sld [smem:$0x3FB4]  }
0x2c: {  	s7 =	sld [smem:$0x3FB5]  }
0x2d: {  	s3 =	simm.s32 $0x108;
	s8 =	sld [smem:$0x3FB6]  }
0x2e: {  	s3 =	simm.s32 @!p0 $0x1082;
	s9 =	sld [smem:$0x3FB7]  }
0x2f: {  	lr =	sadd.s32 s0, s3;
	s0 =	sld [smem:$0x3FAE]  }
0x30: {  	s3 =	sld [smem:$0x3FB1]  }
0x31: {  	[smem:$0x3FBA] =	sst s10  }
0x32: {  	s10 =	sld [smem:$0x3FB8];
	_ =	sdelay $0x3  }
0x33: {  	p0 =	seq.s32 s10, $0x1;
	s10 =	sld [smem:$0x3FBA];
	_ =	sdelay $0x3  }
0x34: {  	[smem:$0x3FBA] =	sst s10  }
0x35: {  	s10 =	sld [smem:$0x3FB9];
	_ =	sdelay $0x3  }
0x36: {  	p1 =	seq.s32 s10, $0x1;
	s10 =	sld [smem:$0x3FBA];
	_ =	sdelay $0x3  }
0x37: {  	[smem:$0x3FBA] =	sst s10  }
0x38: {  	s10 =	sld [smem:$0x3FBB]  }
0x39: {  	_ = 	snop;
	(pc) =	sbr.ind lr, $3  }
0x3a: {  	_ = 	snop  }
0x3b: {  	_ = 	snop  }
0x3c: {  	p2 =	seq.s32 s10, $0x1;
	s10 =	sld [smem:$0x3FBA]  }
0x3d: {  	_ =	shalt  }
0x3e: {  	_ =	shalt  }
0x3f: {  	_ =	shalt  }
0x40: {  	_ =	shalt  }
0x41: {  	_ =	shalt  }
0x42: {  	_ =	shalt  }
0x43: {  	_ =	shalt  }
0x44: {  	_ =	shalt  }
0x45: {  	_ =	shalt  }
0x46: {  	_ =	shalt  }
0x47: {  	_ =	shalt  }
0x48: {  	_ =	shalt  }
0x49: {  	_ =	shalt  }
0x4a: {  	_ =	shalt  }
0x4b: {  	_ =	shalt  }
0x4c: {  	_ =	shalt  }
0x4d: {  	_ =	shalt  }
0x4e: {  	_ =	shalt  }
0x4f: {  	_ =	shalt  }
0x50: {  	_ =	shalt  }
0x51: {  	_ =	shalt  }
0x52: {  	_ =	shalt  }
0x53: {  	_ =	shalt  }
0x54: {  	_ =	shalt  }
0x55: {  	_ =	shalt  }
0x56: {  	_ =	shalt  }
0x57: {  	_ =	shalt  }
0x58: {  	_ =	shalt  }
0x59: {  	_ =	shalt  }
0x5a: {  	_ =	shalt  }
0x5b: {  	_ =	shalt  }
0x5c: {  	_ =	shalt  }
0x5d: {  	_ =	shalt  }
0x5e: {  	_ =	shalt  }
0x5f: {  	_ =	shalt  }
0x60: {  	_ =	shalt  }
0x61: {  	_ =	shalt  }
0x62: {  	_ =	shalt  }
0x63: {  	_ =	shalt  }
0x64: {  	_ =	shalt  }
0x65: {  	_ =	shalt  }
0x66: {  	_ =	shalt  }
0x67: {  	_ =	shalt  }
0x68: {  	_ =	shalt  }
0x69: {  	_ =	shalt  }
0x6a: {  	_ =	shalt  }
0x6b: {  	_ =	shalt  }
0x6c: {  	_ =	shalt  }
0x6d: {  	_ =	shalt  }
0x6e: {  	_ =	shalt  }
0x6f: {  	_ =	shalt  }
0x70: {  	_ =	shalt  }
0x71: {  	_ =	shalt  }
0x72: {  	_ =	shalt  }
0x73: {  	_ =	shalt  }
0x74: {  	_ =	shalt  }
0x75: {  	_ =	shalt  }
0x76: {  	_ =	shalt  }
0x77: {  	_ =	shalt  }
0x78: {  	_ =	shalt  }
0x79: {  	_ =	shalt  }
0x7a: {  	_ =	shalt  }
0x7b: {  	_ =	shalt  }
0x7c: {  	_ =	shalt  }
0x7d: {  	_ =	shalt  }
0x7e: {  	_ =	shalt  }
0x7f: {  	_ =	shalt  }
0x80: {  	_ =	shalt  }
0x81: {  	_ =	shalt  }
0x82: {  	_ =	shalt  }
0x83: {  	_ =	shalt  }
0x84: {  	_ =	shalt  }
0x85: {  	_ =	shalt  }
0x86: {  	_ =	shalt  }
0x87: {  	_ =	shalt  }
.Lfunc_end0:
.L_simem_size_0:
called_computation.1_lowered:
.L_overlay_start_0:
0x88: {  	s2 =	sld [smem:$0x3FD9]  }
0x89: {  	s3 =	sld [smem:$0x3FFE];
	_ =	sdelay $0x1  }
0x8a: {  	s1 =	srdreg.scid  }
0x8b: {  	s0 =	sand.u32 $0x1, s1  }
0x8c: {  	s16 =	sshll.u32 s0, $0xA;
	s2 =	sadd.s32 s3, s2  }
0x8d: {  	s2 =	sadd.s32 s2, s16  }
0x8e: {  	[smem:$0x3FC6] =	sst s2  }
0x8f: {  	_ = 	snop  }
0x90: {  	(tm) =	ssettm $0x1  }
0x91: {  	s17 =	sld [smem:$0x3FFB];
	_ =	sdelay $0x3  }
0x92: {  	_ =	strace s17  }
0x93: {  	s2 =	sld [smem:$0x3FFC];
	_ =	sdelay $0x3  }
0x94: {  	_ =	strace s2  }
0x95: {  	s2 =	sld [smem:$0x3FFD];
	_ =	sdelay $0x3  }
0x96: {  	_ =	strace s2  }
0x97: {  	_ =	strace $0x8FFFFFFF  }
0x98: {  	s18 =	sld [smem:$0x3FDB];
	_ =	sdelay $0x1  }
0x99: {  	s19 =	simm.s32 $_scs_section_size  }
0x9a: {  	s4 =	simm.s32 $_size__tile_overlayer_lowered;
	s5 =	simm.s32 $_tile_overlayer_lowered  }
0x9b: {  	s22 =	simm.s32 $0x1BFF;
	s21 =	sshll.u32 s5, $0x1;
	s2 =	sadd.s32 s19, s18  }
0x9c: {  	s6 =	simm.s32 $0x0;
	s20 =	sshll.u32 s4, $0x1;
	s4 =	sadd.s32 s21, s2  }
0x9d: {  	[timem:s6], [sflag:s22] =	dma.local [hbm:s4], s20  }
0x9e: {  	_ =	swait.ge [sflag:s22], s20  }
0x9f: {  	s3 =	ssub.s32 $0x0, s20;
	[sflag:s22] =	ssyncset.done $0x0  }
0xa0: {  	[sflag:s22] =	ssyncadd.s32 s3;
	_ =	sdelay $0x1  }
0xa1: {  	s23 =	simm.s32 $0x1B8B  }
0xa2: {  	_ =	swait.ge [sflag:s23], $0x1  }
0xa3: {  	[sflag:s23] =	ssyncset.done $0x0  }
0xa4: {  	s25 =	simm.s32 $0x1B8E;
	s24 =	sld [smem:$0x3FFE];
	[sflag:s23] =	ssyncadd.s32 $0xFFFFFFFF  }
0xa5: {  	s26 =	simm.s32 $execute0_lowered;
	[smem:$0x3FD2] =	sst s25  }
0xa6: {  	s4 =	sshll.u32 s26, $0x1;
	_ =	strace $0x80000046;
	[dreg:$0x1] =	wrdreg $0xFFFFFFFF  }
0xa7: {  	s28 =	simm.s32 $_size_execute0_lowered;
	s2 =	sadd.s32 s2, s4;
	[dreg:$0x0] =	wrdreg $0x0  }
0xa8: {  	s4 =	sshll.u32 s28, $0x1;
	[dreg:$0x2] =	wrdreg s2  }
0xa9: {  	[dreg:$0x3] =	wrdreg s4  }
0xaa: {  	[dreg:$0x4] =	wrdreg $0xC0  }
0xab: {  	_ =	task [dreg:s6], $0x5FFFF  }
0xac: {  	[dreg:$0x1] =	wrdreg $0xFFFFFFFF  }
0xad: {  	[dreg:$0x0] =	wrdreg $0x60  }
0xae: {  	[dreg:$0x2] =	wrdreg s24  }
0xaf: {  	[dreg:$0x3] =	wrdreg $0x9  }
0xb0: {  	_ =	task.clear_ibuf [dreg:s6], $0x4FFFF;
	_ =	strace $0x90000046  }
0xb1: {  	s29 =	simm.s32 $0x9;
	_ =	strace $0x80000048  }
0xb2: {  	_ =	swait.ge [sflag:s29], $0x1  }
0xb3: {  	[sflag:s29] =	ssyncadd.s32 $0xFFFFFFFF  }
0xb4: {  	_ =	strace $0x90000048  }
0xb5: {  	_ =	sfence  }
0xb6: {  	s30 =	sld [smem:$0x0];
	_ =	sdelay $0x2  }
0xb7: {  	s31 =	sshll.u32 s1, $0xD;
	s1 =	sshrl.u32 s1, $0x2  }
0xb8: {  	s3 =	sand.u32 $0x4000, s31;
	s1 =	sadd.s32 s1, s30  }
0xb9: {  	s0 =	sor.u32 s3, s0;
	s1 =	sshll.u32 s1, $0x11  }
0xba: {  	s0 =	sor.u32 s1, s0  }
0xbb: {  	s0 =	sadd.s32 $0x8F2B, s0  }
0xbc: {  	[sflag:s0] =	ssyncadd.remote.s32 $0x1  }
0xbd: {  	_ =	sfence.sel $0xFFFF  }
0xbe: {  	[dreg:$0x0] =	wrdreg $0xFFFFFFFF;
	(pc) =	sbr.abs _section_cstart, $3  }
0xbf: {  	[dreg:$0x1] =	wrdreg $0xFFFFFFFF  }
0xc0: {  	_ =	task.clear_ibuf [dreg:s6], $0x2FFFF;
	_ =	strace $0x9FFFFFFF  }
0xc1: {  	(tm) =	ssettm $0x7FFFFFFF  }
tec
execute0_lowered:
.L_overlay_start_1:
0x0: {  	(tag) =	ssettag $0x1  }
0x1: {  	s1 =	srdreg.scid  }
0x2: {  	s0 =	stileid.u32;
	s4 =	rddreg [dreg:$0x0];
	s2 =	simm.s32 $0x0  }
0x3: {  	s13 =	simm.s32 $0x9000;
	s14 =	simm.s32 $0x480;
	s15 =	simm.s32 $0xD000  }
0x4: {  	s16 =	simm.s32 $0x1;
	s17 =	simm.s32 $0x2;
	s18 =	simm.s32 $0x0  }
0x5: {  	s1 =	sand.u32 $0x1, s1;
	s3 =	smul.u32 $0x1900000, s0;
	[smem:$0x7FF] =	sst s2  }
0x6: {  	s6 =	sadd.s32 $0xA00, s4;
	s30 =	sshll.u32 s0, $0xF;
	s5 =	smul.u32 $0xC80000, s1  }
0x7: {  	_ =	strace $0x80000047;
	s29 =	ssub.s32 $0x2, s1;
	s1 =	sshll.u32 s1, $0xE  }
0x8: {  	s9 =	sadd.s32 s30, s6;
	s8 =	sshrl.u32 s29, $0x1;
	s31 =	sor.u32 s1, s30  }
0x9: {  	s1 =	sadd.s32 s1, s9;
	s9 =	simm.s32 $0x80;
	s5 =	sadd.s32 s5, s3  }
0xa: {  	s3 =	sadd.s32 $0x80A00, s4;
	s8 =	ssub.s32 s29, s8;
	s5 =	sshrl.u32 s5, $0x3  }
0xb: {  	s7 =	sadd.s32 s5, s4;
	s4 =	sadd.s32 s6, s31;
	s5 =	smax.u32 s8, $0x1  }
0xc: {  	s6 =	sadd.s32 $0x40, s1;
	s8 =	simm.s32 $0x3;
	s7 =	sadd.s32 $0xFC2E00, s7  }
.LBB2_1:
0xd: {  	[tilespmem:s2], [sflag:$0x3] =	stream.linear.gather [hbm4b:s4+s2], $0x800, $0x38;
	[tilespmem:$0x19000] =	vst v63  }
0xe: {  	s0 =	simm.s32 $0x1000;
	_ =	swait.ge [sflag:s8], $0x800  }
0xf: {  	s11 =	simm.s32 $0x400;
	s1 =	simm.s32 $0x5000;
	[sflag:s8] =	ssyncset.done $0x0  }
0x10: {  	s25 =	simm.s32 $0x200;
	s26 =	simm.s32 $0x100;
	[sflag:s8] =	ssyncadd.s32 $0xFFFFF800  }
0x11: {  	[tilespmem:s0], [sflag:$0x1] =	stream.indirect.gather [hbm4b:s3+s9], $0x80, s2, s9, $0xb8;
	[tilespmem:$0x19000] =	vst v63  }
0x12: {  	s19 =	simm.s32 $0x3;
	s20 =	simm.s32 $0x180;
	s21 =	sadd.s32 $0xC80, s7  }
0x13: {  	[tilespmem:s1], [sflag:$0x1] =	stream.indirect.gather [hbm4b:s3+s9], $0x80, s11, s9, $0xb8;
	[tilespmem:$0x19000] =	vst v63  }
0x14: {  	p1 =	por $0x1, $0x1;
	s22 =	sadd.s32 $0x20, s6;
	s23 =	simm.s32 $0x300  }
0x15: {  	[tilespmem:s13], [sflag:$0x1] =	stream.indirect.gather [hbm4b:s3+s9], $0x80, s9, s9, $0xb8;
	[tilespmem:$0x19000] =	vst v63  }
0x16: {  	s24 =	simm.s32 $0xC00;
	p0 =	por $0x0, $0x0;
	s28 =	simm.s32 @!p1 $0x2  }
0x17: {  	[tilespmem:s15], [sflag:$0x1] =	stream.indirect.gather [hbm4b:s3+s9], $0x80, s14, s9, $0xb8;
	[tilespmem:$0x19000] =	vst v63  }
0x18: {  	s29 =	simm.s32 $0x0;
	s30 =	smul.u32 @!p0 $0xAAAB, s17;
	_ =	swait.ge @!p1 [sflag:s28], $0x6400  }
0x19: {  	s26 =	sand.u32 @!p0 $0x380, s26;
	s25 =	sand.u32 @!p0 $0x800, s25;
	[sflag:s28] =	ssyncset.done @!p1 $0x0  }
0x1a: {  	s30 =	sshrl.u32 @!p0 s30, $0x11;
	[sflag:s28] =	ssyncadd.s32 @!p1 $0xFFFF9C00;
	s28 =	smul.u32 $0x5556, s29  }
0x1b: {  	s30 =	sadd.s32 @!p0 $0x2, s30;
	s1 =	simm.s32 $0x800;
	s29 =	sand.u32 @!p0 $0x7, s17  }
0x1c: {  	_ =	swait.ge [sflag:s16], $0x8000;
	p1 =	sne.s32 @!p0 s29, $0x0;
	s29 =	sshrl.u32 s28, $0x1F  }
0x1d: {  	s28 =	sshrl.u32 s28, $0x10;
	[sflag:s16] =	ssyncset.done $0x0;
	p1 =	por p1, p0  }
0x1e: {  	s28 =	sadd.s32 s29, s28;
	[sflag:s16] =	ssyncadd.s32 $0xFFFF8000;
	s1 =	sand.u32 @!p1 $0x2000, s1  }
0x1f: {  	s29 =	simm.s32 @!p1 $0x0;
	s28 =	smul.u32 $0x3, s28;
	s1 =	sshrl.u32 @!p1 s1, $0x2  }
0x20: {  	[tilespmem:s1], [sflag:$0x3] =	stream.linear.gather @!p1 [hbm4b:s6+s29], $0x800, $0x38;
	[tilespmem:$0x19000] =	vst v63  }
0x21: {  	s29 =	sshll.u32 @!p0 s30, $0xF;
	s30 =	sor.u32 @!p0 s26, s25;
	s25 =	smov.u32 s7  }
0x22: {  	s12 =	ssub.s32 $0x0, s28;
	s28 =	simm.s32 @!p1 $0x3;
	s29 =	sand.u32 @!p0 $0x18000, s29  }
0x23: {  	s26 =	sor.u32 @!p0 $0x400, s30;
	_ =	swait.ge @!p1 [sflag:s28], $0x800;
	s31 =	sshll.u32 s12, $0x10  }
0x24: {  	s1 =	sor.u32 @!p0 $0x1000, s29;
	s29 =	sor.u32 @!p0 $0x5000, s29;
	[sflag:s28] =	ssyncset.done @!p1 $0x0  }
0x25: {  	s31 =	sshra.s32 s31, $0x10;
	[sflag:s28] =	ssyncadd.s32 @!p1 $0xFFFFF800;
	s28 =	simm.s32 @!p0 $0x80  }
.LBB2_2:
0x26: {  	[tilespmem:s1], [sflag:$0x1] =	stream.indirect.gather @!p0 [hbm4b:s3+s28], $0x80, s30, s28, $0xb8;
	[tilespmem:$0x19000] =	vst v63  }
0x27: {  	s1 =	smov.u32 s19  }
0x28: {  	s30 =	smov.u32 s20;
	s0 =	smov.u32 s25;
	s19 =	sadd.s32 $0x1, s19  }
0x29: {  	s31 =	sshll.u32 s31, $0x11;
	s25 =	smov.u32 s21;
	s10 =	smov.u32 s22  }
0x2a: {  	s11 =	smov.u32 s23;
	p1 =	sne.s32 s19, $0x202;
	s31 =	sshra.s32 s31, $0x2  }
0x2b: {  	s12 =	smov.u32 s24;
	s20 =	sadd.s32 $0x80, s20;
	s31 =	sor.u32 $0x1000, s31  }
0x2c: {  	[tilespmem:s29], [sflag:$0x1] =	stream.indirect.gather @!p0 [hbm4b:s3+s28], $0x80, s26, s28, $0xb8;
	[tilespmem:$0x19000] =	vst v63  }
0x2d: {  	s21 =	sadd.s32 $0xC80, s21;
	s22 =	sadd.s32 $0x20, s22;
	s23 =	sadd.s32 $0x100, s23  }
0x2e: {  	[hbm4b:s0+s2] =	stream.linear.scatter [tilespmem:s31], [sflag:$0x2], $0x6400, $0x38;
	[tilespmem:$0x19000] =	vst v63  }
0x2f: {  	s24 =	sadd.s32 $0x400, s24;
	p2 =	slt.u32 s1, $0x4;
	p0 =	sgt.u32 s1, $0x1FF  }
0x30: {  	s26 =	sadd.s32 $0xFFFFFFFE, s1;
	s29 =	smul.u32 @!p0 $0xAAAB, s1;
	s0 =	simm.s32 @!p2 $0x2  }
0x31: {  	s28 =	sshll.u32 s26, $0x10;
	_ =	swait.ge @!p2 [sflag:s0], $0x6400  }
0x32: {  	s28 =	sshra.s32 s28, $0x10;
	s29 =	sshrl.u32 @!p0 s29, $0x11;
	[sflag:s0] =	ssyncset.done @!p2 $0x0  }
0x33: {  	[sflag:s0] =	ssyncadd.s32 @!p2 $0xFFFF9C00;
	s0 =	smul.u32 $0x5556, s28;
	s28 =	sand.u32 @!p0 $0x7, s1  }
0x34: {  	_ =	swait.ge [sflag:s16], $0x8000;
	p2 =	sne.s32 @!p0 s28, $0x0;
	s28 =	sand.u32 @!p0 $0x380, s30  }
0x35: {  	s30 =	sshrl.u32 s0, $0x1F;
	s0 =	sshrl.u32 s0, $0x10;
	[sflag:s16] =	ssyncset.done $0x0  }
0x36: {  	p2 =	por p2, p0;
	s0 =	sadd.s32 s30, s0;
	[sflag:s16] =	ssyncadd.s32 $0xFFFF8000  }
0x37: {  	s1 =	sadd.s32 @!p0 s29, s1;
	s12 =	sand.u32 @!p2 $0x2000, s12;
	s30 =	simm.s32 @!p2 $0x0  }
0x38: {  	s1 =	sshll.u32 @!p0 s1, $0xF;
	s0 =	smul.u32 $0x3, s0;
	s12 =	sshrl.u32 @!p2 s12, $0x2  }
0x39: {  	[tilespmem:s12], [sflag:$0x3] =	stream.linear.gather @!p2 [hbm4b:s10+s30], $0x800, $0x38;
	[tilespmem:$0x19000] =	vst v63  }
.Ltmp0:
0x3a: {  	s0 =	ssub.s32 s26, s0;
	s10 =	simm.s32 @!p2 $0x3;
	(pc) =	sbr.rel @p1 .LBB2_2-.Ltmp0, $4  }
0x3b: {  	s12 =	sand.u32 @!p0 $0x18000, s1;
	s1 =	sand.u32 @!p0 $0x800, s11;
	_ =	swait.ge @!p2 [sflag:s10], $0x800  }
0x3c: {  	s0 =	sshll.u32 s0, $0x10;
	s30 =	sor.u32 @!p0 s28, s1;
	[sflag:s10] =	ssyncset.done @!p2 $0x0  }
0x3d: {  	s1 =	sor.u32 @!p0 $0x1000, s12;
	s26 =	sor.u32 @!p0 $0x400, s30;
	[sflag:s10] =	ssyncadd.s32 @!p2 $0xFFFFF800  }
0x3e: {  	s28 =	simm.s32 @!p0 $0x80;
	s29 =	sor.u32 @!p0 $0x5000, s12;
	s31 =	sshra.s32 s0, $0x10  }
0x3f: {  	[tilespmem:s1], [sflag:$0x1] =	stream.indirect.gather @!p0 [hbm4b:s3+s28], $0x80, s30, s28, $0xb8;
	[tilespmem:$0x19000] =	vst v63  }
0x40: {  	s0 =	sshll.u32 s31, $0x11  }
0x41: {  	s0 =	sshra.s32 s0, $0x2  }
0x42: {  	[tilespmem:s29], [sflag:$0x1] =	stream.indirect.gather @!p0 [hbm4b:s3+s28], $0x80, s26, s28, $0xb8;
	[tilespmem:$0x19000] =	vst v63  }
0x43: {  	s18 =	sadd.s32 $0x1, s18;
	s0 =	sor.u32 $0x1000, s0  }
0x44: {  	[hbm4b:s25+s2] =	stream.linear.scatter [tilespmem:s0], [sflag:$0x2], $0x6400, $0x38;
	[tilespmem:$0x19000] =	vst v63  }
0x45: {  	p0 =	sne.s32 s18, s5;
	_ =	swait.ge [sflag:s17], $0x6400  }
.Ltmp1:
0x46: {  	[sflag:s17] =	ssyncset.done $0x0;
	(pc) =	sbr.rel @p0 .LBB2_1-.Ltmp1, $4  }
0x47: {  	[sflag:s17] =	ssyncadd.s32 $0xFFFF9C00  }
0x48: {  	_ =	swait.ge [sflag:s17], $0x6400  }
0x49: {  	[sflag:s17] =	ssyncset.done $0x0  }
0x4a: {  	[sflag:s17] =	ssyncadd.s32 $0xFFFF9C00  }
0x4b: {  	_ =	sfence.sel $0x180000  }
0x4c: {  	[bflag:$0x0] =	sbarrier.arrive $0xFFFF  }
0x4d: {  	_ =	strace $0x90000047  }
0x4e: {  	s0 =	stileid.u32;
	[bflag:$0x2] =	sbarrier.arrive $0xFFFF  }
0x4f: {  	p0 =	sne.s32 s0, $0x0;
	s0 =	rddreg [dreg:$0x1]  }
0x50: {  	s0 =	sadd.s32 @!p0 $0x100000, s0  }
0x51: {  	[sflag:s0] =	ssyncadd.tile.s32 @!p0 $0x1;
	_ =	shalt  }
.Lfunc_end2:
_tile_overlayer_lowered:
.L_overlay_start_2:
0x52: {  	(tag) =	ssettag $0x2  }
0x53: {  	s0 =	rddreg [dreg:$0x0];
	s2 =	stileid.u32  }
0x54: {  	s1 =	rddreg [dreg:$0x1];
	p0 =	sne.s32 s2, $0x0  }
0x55: {  	s3 =	rddreg [dreg:$0x2];
	[bflag:$0x3] =	sbarrier.arrive $0xFFFF;
	s2 =	simm.s32 @!p0 $0x1C03  }
0x56: {  	[timem:s3], [sflag:s2] =	dma.local @!p0 [hbm:s0], s1  }
0x57: {  	s0 =	simm.s32 @!p0 $0x3  }
0x58: {  	_ =	swait.ge @!p0 [sflag:s0], s1  }
0x59: {  	s1 =	ssub.s32 @!p0 $0x0, s1;
	[sflag:s0] =	ssyncset.done @!p0 $0x0  }
0x5a: {  	[sflag:s0] =	ssyncadd.s32 @!p0 s1  }
0x5b: {  	[bflag:$0x3] =	sbarrier.arrive $0xFFFF  }
0x5c: {  	_ =	shalt  }

// kernel: sparse-core-data-format-call.cloned.1.call-start
scs
called_computation_lowered:
.L_overlay_start_0:
0x0: {  	s2 =	sld [smem:$0x3FD9]  }
0x1: {  	s3 =	sld [smem:$0x3FFE];
	_ =	sdelay $0x1  }
0x2: {  	s1 =	srdreg.scid  }
0x3: {  	s0 =	sand.u32 $0x1, s1  }
0x4: {  	s18 =	sshll.u32 s0, $0xA;
	s2 =	sadd.s32 s3, s2  }
0x5: {  	s2 =	sadd.s32 s2, s18  }
0x6: {  	[smem:$0x3FC6] =	sst s2  }
0x7: {  	_ = 	snop  }
0x8: {  	s2 =	sld [smem:$0x3FD0];
	(tm) =	ssettm $0x1  }
0x9: {  	s19 =	sld [smem:$0x3FFB];
	_ =	sdelay $0x3  }
0xa: {  	_ =	strace s19  }
0xb: {  	s3 =	sld [smem:$0x3FFC];
	_ =	sdelay $0x3  }
0xc: {  	_ =	strace s3  }
0xd: {  	s3 =	sld [smem:$0x3FFD];
	_ =	sdelay $0x3  }
0xe: {  	_ =	strace s3  }
0xf: {  	_ =	strace $0x8FFFFFFF  }
0x10: {  	s20 =	sld [smem:$0x3FDB];
	_ =	sdelay $0x1  }
0x11: {  	s4 =	simm.s32 $_scs_section_size  }
0x12: {  	s5 =	simm.s32 $_size__tile_overlayer_lowered;
	s6 =	simm.s32 $_tile_overlayer_lowered  }
0x13: {  	s23 =	simm.s32 $0x1BFF;
	s22 =	sshll.u32 s6, $0x1;
	s3 =	sadd.s32 s4, s20  }
0x14: {  	s7 =	simm.s32 $0x0;
	s21 =	sshll.u32 s5, $0x1;
	s5 =	sadd.s32 s22, s3  }
0x15: {  	[timem:s7], [sflag:s23] =	dma.local [hbm:s5], s21  }
0x16: {  	_ =	swait.ge [sflag:s23], s21  }
0x17: {  	s4 =	ssub.s32 $0x0, s21;
	[sflag:s23] =	ssyncset.done $0x0  }
0x18: {  	[sflag:s23] =	ssyncadd.s32 s4;
	_ =	sdelay $0x1  }
0x19: {  	s24 =	simm.s32 $0x1B8B  }
0x1a: {  	_ =	swait.ge [sflag:s24], $0x1  }
0x1b: {  	[sflag:s24] =	ssyncset.done $0x0  }
0x1c: {  	s26 =	simm.s32 $0x1B8E;
	s25 =	sld [smem:$0x3FFE];
	[sflag:s24] =	ssyncadd.s32 $0xFFFFFFFF  }
0x1d: {  	s27 =	simm.s32 $execute0_lowered;
	[smem:$0x3FD2] =	sst s26  }
0x1e: {  	s5 =	sshll.u32 s27, $0x1;
	_ =	strace $0x80000049;
	[dreg:$0x1] =	wrdreg $0xFFFFFFFF  }
0x1f: {  	s28 =	simm.s32 $_size_execute0_lowered;
	s3 =	sadd.s32 s3, s5;
	[dreg:$0x0] =	wrdreg $0x0  }
0x20: {  	s5 =	sshll.u32 s28, $0x1;
	[dreg:$0x2] =	wrdreg s3  }
0x21: {  	[dreg:$0x3] =	wrdreg s5  }
0x22: {  	[dreg:$0x4] =	wrdreg $0xC0  }
0x23: {  	_ =	task [dreg:s7], $0x5FFFF  }
0x24: {  	[dreg:$0x1] =	wrdreg $0xFFFFFFFF  }
0x25: {  	[dreg:$0x0] =	wrdreg $0x60  }
0x26: {  	[dreg:$0x2] =	wrdreg s25  }
0x27: {  	[dreg:$0x3] =	wrdreg s2  }
0x28: {  	[dreg:$0x4] =	wrdreg $0x9  }
0x29: {  	_ =	task.clear_ibuf [dreg:s7], $0x5FFFF;
	_ =	strace $0x90000049  }
0x2a: {  	s29 =	simm.s32 $0x9;
	_ =	strace $0x8000004B  }
0x2b: {  	_ =	swait.ge [sflag:s29], $0x1  }
0x2c: {  	[sflag:s29] =	ssyncadd.s32 $0xFFFFFFFF  }
0x2d: {  	_ =	strace $0x9000004B  }
0x2e: {  	_ =	sfence  }
0x2f: {  	s30 =	sld [smem:$0x0];
	_ =	sdelay $0x2  }
0x30: {  	s31 =	sshll.u32 s1, $0xD;
	s1 =	sshrl.u32 s1, $0x2  }
0x31: {  	s3 =	sand.u32 $0x4000, s31;
	s1 =	sadd.s32 s1, s30  }
0x32: {  	s0 =	sor.u32 s3, s0;
	s1 =	sshll.u32 s1, $0x11  }
0x33: {  	s0 =	sor.u32 s1, s0  }
0x34: {  	s0 =	sadd.s32 $0x8F2B, s0  }
0x35: {  	[sflag:s0] =	ssyncadd.remote.s32 $0x1  }
0x36: {  	_ =	sfence.sel $0xFFFF  }
0x37: {  	[dreg:$0x0] =	wrdreg $0xFFFFFFFF;
	(pc) =	sbr.abs _section_cstart, $3  }
0x38: {  	[dreg:$0x1] =	wrdreg $0xFFFFFFFF  }
0x39: {  	_ =	task.clear_ibuf [dreg:s7], $0x2FFFF;
	_ =	strace $0x9FFFFFFF  }
0x3a: {  	(tm) =	ssettm $0x7FFFFFFF  }
0x3b: {  	_ =	shalt  }
tec
execute0_lowered:
.L_overlay_start_1:
0x0: {  	(tag) =	ssettag $0x1  }
0x1: {  	s0 =	srdreg.scid  }
0x2: {  	s1 =	sshll.u32 s0, $0x4  }
0x3: {  	s0 =	stileid.u32;
	s1 =	sand.u32 $0x10, s1  }
0x4: {  	s1 =	sor.u32 s0, s1  }
0x5: {  	s6 =	rddreg [dreg:$0x0];
	s4 =	simm.s32 $0x1;
	s2 =	sshll.u32 s1, $0x7  }
0x6: {  	s7 =	simm.s32 $0x2;
	s12 =	simm.s32 $0x0;
	s1 =	ssub.s32 $0x4000, s2  }
0x7: {  	s8 =	simm.s32 $0x20000;
	s13 =	simm.s32 $0x0;
	s3 =	sand.u32 $0xF80, s1  }
0x8: {  	s9 =	simm.s32 $0x0;
	s5 =	sshrl.u32 s1, $0xC;
	p0 =	sne.s32 s3, $0x0  }
.Ltmp0:
0x9: {  	s1 =	rddreg [dreg:$0x2];
	s4 =	simm.s32 @!p0 $0x0;
	(pc) =	sbr.rel .LBB1_1-.Ltmp0, $4  }
0xa: {  	s11 =	simm.s32 $0x0;
	s3 =	rddreg [dreg:$0x1];
	s5 =	sadd.s32 s4, s5  }
0xb: {  	_ =	strace $0x8000004A;
	s4 =	simm.s32 $0x1;
	s5 =	smul.u32 $0xC8, s5  }
0xc: {  	s6 =	sadd.s32 $0xFC2E00, s6;
	s10 =	smov.u32 s2;
	[sflag:s4] =	ssyncpa.u1 $0x0  }
0xd: {  	p0 =	por $0x0, $0x0;
	[sflag:s7] =	ssyncpa.u1 $0x0;
	s7 =	sor.u32 $0x1, s5  }
.LBB1_4:
0xe: {  	s16 =	sshll.u32 s13, $0x3;
	s17 =	sand.u32 $0x78, s13  }
0xf: {  	s30 =	sand.u32 $0x1F800, s13;
	s12 =	sshll.u32 s12, $0x11;
	s16 =	sand.u32 $0x3C00, s16  }
0x10: {  	[tilespmem:s15+$0x810 ss:$0x81] =	vst.msk $0xffff, v2;
	s31 =	sand.u32 $0x7, s13;
	s16 =	sor.u32 s17, s16;
	s17 =	sadd.s32 s3, s30  }
0x11: {  	[tilespmem:s15+$0x1020 ss:$0x81] =	vst.msk $0xffff, v0;
	s13 =	sshll.u32 s31, $0x12;
	s12 =	sadd.s32 s12, s17;
	s16 =	sshrl.u32 s16, $0x3  }
0x12: {  	[tilespmem:s15+$0x0 ss:$0x81] =	vst.msk $0xffff, v1;
	s13 =	sor.u32 $0x400, s13;
	s12 =	sadd.s32 s16, s12  }
0x13: {  	[hbm4b:s12+s13] =	stream.strided.scatter [tilespmem:s14], [sflag:$0x2], $0x2000, s8, s13, $0x20;
	[tilespmem:$0x8080] =	vst v63  }
.LBB1_5:
0x14: {  	s14 =	sadd.s32 $0x1, s9  }
0x15: {  	s12 =	sadd.s32 $0x1000, s10;
	s16 =	smov.u32 s10;
	p2 =	sgt.s32 s14, $0xC7  }
0x16: {  	s16 =	smov.u32 @p2 s12  }
0x17: {  	s14 =	simm.s32 @p2 $0x0;
	p2 =	sgt.s32 s16, $0x3FFF  }
0x18: {  	s16 =	smov.u32 @p2 s2;
	p2 =	sne.s32 s11, s7  }
.Ltmp1:
0x19: {  	p1 =	slt.u32 s11, $0x2;
	(pc) =	sbr.rel @!p2 .LBB1_6-.Ltmp1, $4  }
0x1a: {  	s15 =	simm.s32 @!p1 $0x2  }
0x1b: {  	s13 =	smov.u32 s10;
	p0 =	por !p0, !p0;
	_ =	swait.ge @!p1 [sflag:s15], $0x2000  }
0x1c: {  	s12 =	smov.u32 s9;
	[sflag:s15] =	ssyncset.done @!p1 $0x0;
	s9 =	smov.u32 s14  }
0x1d: {  	s11 =	sadd.s32 $0x1, s11;
	[sflag:s15] =	ssyncadd.s32 @!p1 $0xFFFFE000;
	s10 =	smov.u32 s16  }
.LBB1_1:
0x1e: {  	p1 =	sge.u32 s11, s5  }
0x1f: {  	s14 =	sand.u32 @!p1 $0x1FFFFFF, s9  }
0x20: {  	s15 =	smulhi.u32 @!p1 $0x147AE15, s14;
	_ =	sdelay $0x1  }
0x21: {  	s15 =	smul.u32 @!p1 $0xC8, s15  }
0x22: {  	s16 =	sxor.u32 @!p1 $0xFFFFFFFF, s11;
	s17 =	smul.u32 @!p1 $0xC80, s10  }
0x23: {  	s31 =	sadd.s32 $0xFFFFFFFF, s11;
	s16 =	sshll.u32 @!p1 s16, $0xD;
	s14 =	ssub.s32 @!p1 s14, s15  }
0x24: {  	s15 =	sand.u32 @!p1 $0x2000, s16;
	s16 =	sadd.s32 @!p1 s6, s17;
	s14 =	sshll.u32 @!p1 s14, $0x4  }
0x25: {  	s17 =	simm.s32 @!p1 $0x6400;
	s14 =	sadd.s32 @!p1 s14, s16;
	s16 =	simm.s32 @!p1 $0x40  }
0x26: {  	[tilespmem:s15], [sflag:$0x1] =	stream.strided.gather @!p1 [hbm4b:s14+s16], $0x2000, s17, s16, $0x38;
	[tilespmem:$0x8080] =	vst v63  }
0x27: {  	p1 =	sge.u32 s31, s5  }
.Ltmp2:
0x28: {  	_ = 	snop;
	(pc) =	sbr.rel @p1 .LBB1_5-.Ltmp2, $1  }
0x29: {  	_ =	sdelay $0x3  }
0x2a: {  	s14 =	simm.s32 $0x1  }
0x2b: {  	_ =	swait.ge [sflag:s4], $0x2000;
	s14 =	simm.s32 @!p0 $0x0  }
0x2c: {  	[sflag:s4] =	ssyncset.done $0x0;
	s15 =	sshll.u32 s14, $0xD  }
0x2d: {  	[sflag:s4] =	ssyncadd.s32 $0xFFFFE000;
	s18 =	sor.u32 $0x20, s15  }
0x2e: {  	s14 =	smul.u32 $0x8100, s14;
	v3 =	vld [tilespmem:s18+$0x10]  }
0x2f: {  	s30 =	sand.u32 $0x1, s11;
	v2 =	vld [tilespmem:s18+$0xFFFFFFF0]  }
0x30: {  	s15 =	smul.u32 $0x8100, s30;
	s14 =	sshrl.u32 s14, $0x2;
	v0 =	vld [tilespmem:s18+$0x0]  }
0x31: {  	v1 =	vld [tilespmem:s18+$0xFFFFFFE0];
	s16 =	sor.u32 $0x4000, s14  }
0x32: {  	s31 =	sshrl.u32 s15, $0x2;
	s15 =	sadd.s32 $0x0, s16  }
0x33: {  	s17 =	simm.s32 $0x4;
	s18 =	sadd.s32 $0x40, s18;
	s14 =	sor.u32 $0x4000, s31;
	[tilespmem:s15+$0x1830 ss:$0x81] =	vst.msk $0xffff, v3  }
.LBB1_3:
0x34: {  	v3 =	vld [tilespmem:s18+$0x10];
	p1 =	sne.s32 s17, $0x1FC;
	[tilespmem:s15+$0x810 ss:$0x81] =	vst.msk $0xffff, v2;
	s19 =	smov.u32 s17;
	s17 =	sadd.s32 $0x4, s17  }
.Ltmp3:
0x35: {  	v2 =	vld [tilespmem:s18+$0xFFFFFFF0];
	[tilespmem:s15+$0x1020 ss:$0x81] =	vst.msk $0xffff, v0;
	(pc) =	sbr.rel @p1 .LBB1_3-.Ltmp3, $4  }
0x36: {  	v0 =	vld [tilespmem:s18+$0x0];
	[tilespmem:s15+$0x0 ss:$0x81] =	vst.msk $0xffff, v1  }
0x37: {  	s15 =	sshra.s32 s19, $0x2;
	v1 =	vld [tilespmem:s18+$0xFFFFFFE0]  }
0x38: {  	s15 =	sadd.s32 s15, s16  }
0x39: {  	s18 =	sadd.s32 $0x40, s18;
	[tilespmem:s15+$0x1830 ss:$0x81] =	vst.msk $0xffff, v3  }
.Ltmp4:
0x3a: {  	_ = 	snop;
	(pc) =	sbr.rel .LBB1_4-.Ltmp4, $1  }
0x3b: {  	_ =	sdelay $0x3  }
.LBB1_6:
0x3c: {  	_ =	sfence.sel $0x180000  }
0x3d: {  	s2 =	simm.s32 $0x1;
	[bflag:$0x0] =	sbarrier.arrive $0xFFFF  }
0x3e: {  	s31 =	simm.s32 $0x2;
	[sflag:s2] =	ssyncpa.u1 $0x1  }
0x3f: {  	[sflag:s31] =	ssyncpa.u1 $0x1  }
0x40: {  	p0 =	sne.s32 s0, $0x0;
	_ =	strace $0x9000004A  }
0x41: {  	s0 =	sadd.s32 @!p0 $0x100000, s1;
	[bflag:$0x2] =	sbarrier.arrive $0xFFFF  }
0x42: {  	[sflag:s0] =	ssyncadd.tile.s32 @!p0 $0x1;
	_ =	shalt  }
.Lfunc_end1:
_tile_overlayer_lowered:
.L_overlay_start_2:
0x43: {  	(tag) =	ssettag $0x2  }
0x44: {  	s0 =	rddreg [dreg:$0x0];
	s2 =	stileid.u32  }
0x45: {  	s1 =	rddreg [dreg:$0x1];
	p0 =	sne.s32 s2, $0x0  }
0x46: {  	s3 =	rddreg [dreg:$0x2];
	[bflag:$0x3] =	sbarrier.arrive $0xFFFF;
	s2 =	simm.s32 @!p0 $0x1C01  }
0x47: {  	[timem:s3], [sflag:s2] =	dma.local @!p0 [hbm:s0], s1  }
0x48: {  	s0 =	simm.s32 @!p0 $0x1  }
0x49: {  	_ =	swait.ge @!p0 [sflag:s0], s1  }
0x4a: {  	s1 =	ssub.s32 @!p0 $0x0, s1;
	[sflag:s0] =	ssyncset.done @!p0 $0x0  }
0x4b: {  	[sflag:s0] =	ssyncadd.s32 @!p0 s1  }
0x4c: {  	[bflag:$0x3] =	sbarrier.arrive $0xFFFF  }
0x4d: {  	_ =	shalt  }

</sc_bundles>
